<compile_context>
chip_gen: v7x
topology: tpu7x:2x2x1
jax: 0.10.2.dev20260603
libtpu: 0.0.44.dev20260713+nightly
codegen_flags: <defaults>
</compile_context>

<pallas_src>
import functools

import jax
import jax.numpy as jnp
from jax import lax
from jax.experimental import pallas as pl
from jax.experimental.pallas import tpu as pltpu
from jax.experimental.pallas import tpu_sc as plsc

B, T = 1024, 50
N_NUM, N_EMB = 13, 26
EMB_DIM = 32
VOCAB = 100000
F = N_NUM + N_EMB * EMB_DIM
FE = N_EMB * EMB_DIM
EPS = 1e-5
BT = B * T

NC, NS = 2, 16
NW = NC * NS
RPW = FE // NW
TCK = 6400
NTC = BT // TCK


def _sc_gather(tables_2d, idx_tm):
    mesh = plsc.VectorSubcoreMesh(core_axis_name="c", subcore_axis_name="s")

    @functools.partial(
        pl.kernel,
        mesh=mesh,
        out_type=jax.ShapeDtypeStruct((FE, BT), jnp.float32),
        scratch_types=[
            pltpu.VMEM((VOCAB,), jnp.float32),
            pltpu.VMEM((2, TCK), jnp.int32),
            pltpu.VMEM((2, TCK), jnp.float32),
            pltpu.SemaphoreType.DMA,
            pltpu.SemaphoreType.DMA,
            pltpu.SemaphoreType.DMA,
            pltpu.SemaphoreType.DMA,
        ],
        compiler_params=pltpu.CompilerParams(use_tc_tiling_on_sc=False,
                                             needs_layout_passes=False),
    )
    def gather_k(tbl_hbm, idx_hbm, out_hbm, row_v, idx_v, out_v,
                 isem_a, isem_b, osem_a, osem_b):
        wid = lax.axis_index("s") * NC + lax.axis_index("c")
        isems = (isem_a, isem_b)
        osems = (osem_a, osem_b)

        def idx_start(j, c, b):
            pltpu.async_copy(idx_hbm.at[j, pl.ds(c * TCK, TCK)],
                             idx_v.at[b], isems[b])

        def idx_wait(j, c, b):
            pltpu.make_async_copy(idx_hbm.at[j, pl.ds(c * TCK, TCK)],
                                  idx_v.at[b], isems[b]).wait()

        def out_start(rf, c, b):
            pltpu.async_copy(out_v.at[b],
                             out_hbm.at[rf, pl.ds(c * TCK, TCK)], osems[b])

        def out_wait(rf, c, b):
            pltpu.make_async_copy(
                out_v.at[b], out_hbm.at[rf, pl.ds(c * TCK, TCK)],
                osems[b]).wait()

        def compute(b):
            def gbody(g, _):
                base = g * 256
                for u in range(16):
                    iv = idx_v[b, pl.ds(base + u * 16, 16)]
                    out_v[b, pl.ds(base + u * 16, 16)] = (
                        plsc.load_gather(row_v, [iv]))
                return 0

            lax.fori_loop(0, TCK // 256, gbody, 0)

        def rbody(rr, _):
            rf = wid * RPW + rr
            j = rf // EMB_DIM
            pltpu.sync_copy(tbl_hbm.at[rf], row_v)
            idx_start(j, 0, 0)
            idx_start(j, 1, 1)

            def pbody(p, _):
                for b in range(2):
                    c = p * 2 + b
                    idx_wait(j, c, b)

                    @pl.when(c >= 2)
                    def _():
                        out_wait(rf, c - 2, b)

                    compute(b)

                    @pl.when(c + 2 < NTC)
                    def _():
                        idx_start(j, c + 2, b)

                    out_start(rf, c, b)
                return 0

            lax.fori_loop(0, NTC // 2, pbody, 0)
            out_wait(rf, NTC - 2, 0)
            out_wait(rf, NTC - 1, 1)
            return 0

        lax.fori_loop(0, RPW, rbody, 0)

    return gather_k(tables_2d, idx_tm)


CK = 2048
NBC = BT // CK


def _stats_body(len_ref, num_ref, mask_ref, emb_ref,
                gn_ref, ge_ref, bn_ref, be_ref,
                sn_ref, se_ref, cn_ref, ce_ref,
                acc_sn, acc_qn, acc_se, acc_qe, acc_n):
    i = pl.program_id(0)

    @pl.when(i == 0)
    def _():
        lens = len_ref[...]
        lf = lens.astype(jnp.float32)
        acc_n[...] = jnp.sum(lf).reshape(1, 1)
        m3 = (lax.broadcasted_iota(jnp.int32, (T, 1, B), 0)
              < lens.reshape(1, 1, B)).astype(jnp.float32)
        num = num_ref[...]
        nm = num * m3
        acc_sn[...] = jnp.sum(nm, axis=(0, 2)).reshape(N_NUM, 1)
        acc_qn[...] = jnp.sum(nm * num, axis=(0, 2)).reshape(N_NUM, 1)
        acc_se[...] = jnp.zeros_like(acc_se)
        acc_qe[...] = jnp.zeros_like(acc_qe)

    emb = emb_ref[...]
    em = emb * mask_ref[...]
    acc_se[...] += jnp.sum(em, axis=1).reshape(FE, 1)
    acc_qe[...] += jnp.sum(em * emb, axis=1).reshape(FE, 1)

    @pl.when(i == pl.num_programs(0) - 1)
    def _():
        inv_n = 1.0 / acc_n[0, 0]
        mean_n = acc_sn[...] * inv_n
        var_n = jnp.maximum(acc_qn[...] * inv_n - mean_n * mean_n, 0.0)
        s_n = gn_ref[...] * lax.rsqrt(var_n + EPS)
        sn_ref[...] = s_n
        cn_ref[...] = bn_ref[...] - mean_n * s_n
        mean_e = acc_se[...] * inv_n
        var_e = jnp.maximum(acc_qe[...] * inv_n - mean_e * mean_e, 0.0)
        s_e = ge_ref[...] * lax.rsqrt(var_e + EPS)
        se_ref[...] = s_e
        ce_ref[...] = be_ref[...] - mean_e * s_e


def _stats(len_row, numeric_t, mask_tm, emb_fm,
           gamma_n, gamma_e, beta_n, beta_e):
    return pl.pallas_call(
        _stats_body,
        grid=(NBC,),
        in_specs=[
            pl.BlockSpec((1, B), lambda i: (0, 0)),
            pl.BlockSpec((T, N_NUM, B), lambda i: (0, 0, 0)),
            pl.BlockSpec((1, CK), lambda i: (0, i)),
            pl.BlockSpec((FE, CK), lambda i: (0, i)),
            pl.BlockSpec((N_NUM, 1), lambda i: (0, 0)),
            pl.BlockSpec((FE, 1), lambda i: (0, 0)),
            pl.BlockSpec((N_NUM, 1), lambda i: (0, 0)),
            pl.BlockSpec((FE, 1), lambda i: (0, 0)),
        ],
        out_specs=[
            pl.BlockSpec((N_NUM, 1), lambda i: (0, 0)),
            pl.BlockSpec((FE, 1), lambda i: (0, 0)),
            pl.BlockSpec((N_NUM, 1), lambda i: (0, 0)),
            pl.BlockSpec((FE, 1), lambda i: (0, 0)),
        ],
        out_shape=[
            jax.ShapeDtypeStruct((N_NUM, 1), jnp.float32),
            jax.ShapeDtypeStruct((FE, 1), jnp.float32),
            jax.ShapeDtypeStruct((N_NUM, 1), jnp.float32),
            jax.ShapeDtypeStruct((FE, 1), jnp.float32),
        ],
        scratch_shapes=[
            pltpu.VMEM((N_NUM, 1), jnp.float32),
            pltpu.VMEM((N_NUM, 1), jnp.float32),
            pltpu.VMEM((FE, 1), jnp.float32),
            pltpu.VMEM((FE, 1), jnp.float32),
            pltpu.VMEM((1, 1), jnp.float32),
        ],
    )(len_row, numeric_t, mask_tm, emb_fm, gamma_n, gamma_e, beta_n, beta_e)


TB = 1


def _norm_body(len_ref, num_ref, emb_ref, sn_ref, se_ref, cn_ref, ce_ref,
               out_ref):
    it = pl.program_id(0)
    lens = len_ref[...]
    s_n, c_n = sn_ref[...], cn_ref[...]
    s_e, c_e = se_ref[...], ce_ref[...]
    for k in range(TB):
        t = it * TB + k
        m = (t < lens).astype(jnp.float32)
        e = emb_ref[:, k * B:(k + 1) * B]
        out_ref[k, N_NUM:F, :] = (e * s_e + c_e) * m
        nt = num_ref[k]
        out_ref[k, 0:N_NUM, :] = (nt * s_n + c_n) * m


def _norm(len_row, numeric_t, emb_fm, s_n, s_e, c_n, c_e):
    out_t = pl.pallas_call(
        _norm_body,
        grid=(T // TB,),
        in_specs=[
            pl.BlockSpec((1, B), lambda it: (0, 0)),
            pl.BlockSpec((TB, N_NUM, B), lambda it: (it, 0, 0)),
            pl.BlockSpec((FE, TB * B), lambda it: (0, it)),
            pl.BlockSpec((N_NUM, 1), lambda it: (0, 0)),
            pl.BlockSpec((FE, 1), lambda it: (0, 0)),
            pl.BlockSpec((N_NUM, 1), lambda it: (0, 0)),
            pl.BlockSpec((FE, 1), lambda it: (0, 0)),
        ],
        out_specs=pl.BlockSpec((TB, F, B), lambda it: (it, 0, 0)),
        out_shape=jax.ShapeDtypeStruct((T, F, B), jnp.float32),
        compiler_params=pltpu.CompilerParams(
            vmem_limit_bytes=100 * 1024 * 1024),
    )(len_row, numeric_t, emb_fm, s_n, s_e, c_n, c_e)
    return jnp.transpose(out_t, (2, 0, 1))


def kernel(numeric, emb_idx, lengths, tables, gamma, beta):
    tables_2d = jnp.transpose(tables, (0, 2, 1)).reshape(FE, VOCAB)
    idx_tm = jnp.transpose(emb_idx, (2, 1, 0)).reshape(N_EMB, BT)
    idx_tm = idx_tm.astype(jnp.int32)
    numeric_t = jnp.transpose(numeric, (1, 2, 0))
    len_row = lengths.reshape(1, B).astype(jnp.int32)
    mask_tm = (jnp.arange(T, dtype=jnp.int32)[:, None]
               < lengths[None, :]).astype(jnp.float32).reshape(1, BT)
    emb_fm = _sc_gather(tables_2d, idx_tm)
    gamma_n = gamma[:N_NUM].reshape(N_NUM, 1)
    gamma_e = gamma[N_NUM:].reshape(FE, 1)
    beta_n = beta[:N_NUM].reshape(N_NUM, 1)
    beta_e = beta[N_NUM:].reshape(FE, 1)
    s_n, s_e, c_n, c_e = _stats(len_row, numeric_t, mask_tm, emb_fm,
                                gamma_n, gamma_e, beta_n, beta_e)
    return _norm(len_row, numeric_t, emb_fm, s_n, s_e, c_n, c_e)

# --- scband reference (transcript-rebuilt; emitter-appended) ---
"""Pipeline reference for scband-dense-feature-layer-3693671874821 (READ-ONLY COPY).

The authoritative reference and input builder live on the scoring server;
editing this copy changes nothing except your own understanding.
"""

import jax, jax.numpy as jnp
import numpy as np

B, T = 1024, 50
N_NUM, N_EMB = 13, 26
EMB_DIM = 32
VOCAB = 100000
F = N_NUM + N_EMB * EMB_DIM
EPS = 1e-5


def setup_inputs(seed: int = 0) -> dict:
    key = jax.random.key(seed)
    k1, k2, k3, k4 = jax.random.split(key, 4)
    numeric = jax.random.normal(k1, (B, T, N_NUM), dtype=jnp.float32)
    emb_idx = jax.random.randint(k2, (B, T, N_EMB), 0, VOCAB)
    lengths = jax.random.randint(k3, (B,), 0, T)
    # pack_padded_sequence requires lengths >= 1; pin max length = T so padded output is [B, T, F]
    lengths = jnp.maximum(lengths, 1).at[0].set(T)
    tables = jax.random.normal(k4, (N_EMB, VOCAB, EMB_DIM), dtype=jnp.float32) * 0.1
    gamma = jnp.ones((F,), dtype=jnp.float32)
    beta = jnp.zeros((F,), dtype=jnp.float32)
    return {"numeric": numeric, "emb_idx": emb_idx, "lengths": lengths,
            "tables": tables, "gamma": gamma, "beta": beta}


def reference(numeric, emb_idx, lengths, tables, gamma, beta):
    # --- embedding lookups for each categorical column (fused as one big gather) ---
    flat_tables = tables.reshape(N_EMB * VOCAB, EMB_DIM)
    offsets = (jnp.arange(N_EMB, dtype=emb_idx.dtype) * VOCAB)[None, None, :]
    emb = jnp.take(flat_tables, emb_idx + offsets, axis=0)  # [B, T, N_EMB, EMB_DIM]
    emb = emb.reshape(B, T, N_EMB * EMB_DIM)
    # numeric feats: torch.stack(..., dim=2) then flatten(start_dim=2) -> [B, T, N_NUM]
    feats = jnp.concatenate([numeric, emb], axis=2)  # [B, T, F]
    # --- PackedSequenceBatchNorm1d: BatchNorm1d (training-mode batch stats) over packed
    # (valid) timesteps only; pad_packed_sequence zero-pads positions >= lengths[b] ---
    mask = (jnp.arange(T)[None, :] < lengths[:, None]).astype(jnp.float32)  # [B, T]
    n = jnp.sum(mask)
    m3 = mask[:, :, None]
    mean = jnp.sum(feats * m3, axis=(0, 1)) / n
    var = jnp.sum(((feats - mean) ** 2) * m3, axis=(0, 1)) / n  # biased, as BN uses
    normed = (feats - mean) * jax.lax.rsqrt(var + EPS) * gamma + beta
    return normed * m3

if __name__ == "__main__":
    import jax
    _d = setup_inputs()
    print(jax.jit(kernel)(*tuple(_d.values())))

</pallas_src>

<mosaic_0001>
#map = affine_map<(d0, d1) -> (0, 0)>
module attributes {stable_mosaic.version = 14 : i64} {
  func.func @gather_k(%arg0: i32, %arg1: i32, %arg2: memref<832x100000xf32, #tpu.memory_space<hbm>>, %arg3: memref<26x51200xi32, #tpu.memory_space<hbm>>, %arg4: memref<832x51200xf32, #tpu.memory_space<hbm>>, %arg5: memref<100000xf32, #tpu.memory_space<vmem>>, %arg6: memref<2x6400xi32, #tpu.memory_space<vmem>>, %arg7: memref<2x6400xf32, #tpu.memory_space<vmem>>, %arg8: memref<!tpu.dma_semaphore, #tpu.memory_space<semaphore_mem>>, %arg9: memref<!tpu.dma_semaphore, #tpu.memory_space<semaphore_mem>>, %arg10: memref<!tpu.dma_semaphore, #tpu.memory_space<semaphore_mem>>, %arg11: memref<!tpu.dma_semaphore, #tpu.memory_space<semaphore_mem>>) attributes {dimension_semantics = [#tpu.dimension_semantics<core_parallel>, #tpu.dimension_semantics<subcore_parallel>], iteration_bounds = array<i64: 2, 16>, scalar_prefetch = 0 : i64, scratch_operands = 7 : i64, tpu.core_type = #tpu.core_type<sc_vector_subcore>, window_params = [{transform_indices = #map}, {transform_indices = #map}, {transform_indices = #map}]} {
    %mul3A = arith.constant 2 : i32
    %mul3A_0 = arith.muli %arg1, %mul3A : i32
    %add3A = arith.addi %mul3A_0, %arg0 : i32
    %scan3A = arith.constant 0 : i32
    %scan3A_1 = arith.constant 0 : i32
    %scan3A_2 = arith.constant 26 : i32
    %scan3A_3 = arith.addi %scan3A_1, %scan3A_2 : i32
    %scan3A_4 = arith.constant 1 : i32
    %scan3A_5 = scf.for %scan3A_7 = %scan3A_1 to %scan3A_3 step %scan3A_4 iter_args(%scan3A_8 = %scan3A) -> (i32)  : i32 {
      %mul3A_9 = arith.constant 26 : i32
      %mul3A_10 = arith.muli %add3A, %mul3A_9 : i32
      %add3A_11 = arith.addi %mul3A_10, %scan3A_7 : i32
      %jit3A = arith.constant 32 : i32
      %div3A = arith.divsi %add3A_11, %jit3A : i32
      %sign3A = arith.constant 0 : i32
      %sign3A_12 = arith.cmpi sgt, %add3A_11, %sign3A : i32
      %sign3A_13 = arith.extui %sign3A_12 : i1 to i32
      %sign3A_14 = arith.constant 0 : i32
      %sign3A_15 = arith.cmpi slt, %add3A_11, %sign3A_14 : i32
      %sign3A_16 = arith.extui %sign3A_15 : i1 to i32
      %sign3A_17 = arith.subi %sign3A_13, %sign3A_16 : i32
      %sign3A_18 = arith.constant 0 : i32
      %sign3A_19 = arith.cmpi sgt, %jit3A, %sign3A_18 : i32
      %sign3A_20 = arith.extui %sign3A_19 : i1 to i32
      %sign3A_21 = arith.constant 0 : i32
      %sign3A_22 = arith.cmpi slt, %jit3A, %sign3A_21 : i32
      %sign3A_23 = arith.extui %sign3A_22 : i1 to i32
      %sign3A_24 = arith.subi %sign3A_20, %sign3A_23 : i32
      %ne3A = arith.cmpi ne, %sign3A_17, %sign3A_24 : i32
      %rem3A = arith.remsi %add3A_11, %jit3A : i32
      %ne3A_25 = arith.constant 0 : i32
      %ne3A_26 = arith.cmpi ne, %rem3A, %ne3A_25 : i32
      %and3A = arith.andi %ne3A, %ne3A_26 : i1
      %sub3A = arith.constant 1 : i32
      %sub3A_27 = arith.subi %div3A, %sub3A : i32
      %select_n3A = arith.select %and3A, %sub3A_27, %div3A : i32
      "tpu.region"() ({
        %run_scoped3A = tpu.sem_alloc : memref<!tpu.dma_semaphore, #tpu.memory_space<semaphore_mem>>
        %dma_start3A_86 = arith.constant 0 : i32
        %dma_start3A_87 = tpu.memref_slice %arg2[%add3A_11, %dma_start3A_86] : memref<832x100000xf32, #tpu.memory_space<hbm>> -> memref<1x100000xf32, #tpu.memory_space<hbm>>
        %dma_start3A_88 = tpu.memref_squeeze %dma_start3A_87 : memref<1x100000xf32, #tpu.memory_space<hbm>> -> memref<100000xf32, #tpu.memory_space<hbm>>
        %dma_start3A_89 = arith.constant 0 : i32
        %dma_start3A_90 = tpu.memref_slice %arg2[%add3A_11, %dma_start3A_89] : memref<832x100000xf32, #tpu.memory_space<hbm>> -> memref<1x100000xf32, #tpu.memory_space<hbm>>
        %dma_start3A_91 = tpu.memref_squeeze %dma_start3A_90 : memref<1x100000xf32, #tpu.memory_space<hbm>> -> memref<100000xf32, #tpu.memory_space<hbm>>
        tpu.enqueue_dma source(%dma_start3A_91 : memref<100000xf32, #tpu.memory_space<hbm>>) target(%arg5 : memref<100000xf32, #tpu.memory_space<vmem>>) target_semaphore(%run_scoped3A : memref<!tpu.dma_semaphore, #tpu.memory_space<semaphore_mem>>)
        %dma_wait3A_92 = arith.constant 0 : i32
        %dma_wait3A_93 = tpu.memref_slice %arg2[%add3A_11, %dma_wait3A_92] : memref<832x100000xf32, #tpu.memory_space<hbm>> -> memref<1x100000xf32, #tpu.memory_space<hbm>>
        %dma_wait3A_94 = tpu.memref_squeeze %dma_wait3A_93 : memref<1x100000xf32, #tpu.memory_space<hbm>> -> memref<100000xf32, #tpu.memory_space<hbm>>
        %dma_wait3A_95 = arith.constant 0 : i32
        %dma_wait3A_96 = tpu.memref_slice %arg2[%add3A_11, %dma_wait3A_95] : memref<832x100000xf32, #tpu.memory_space<hbm>> -> memref<1x100000xf32, #tpu.memory_space<hbm>>
        %dma_wait3A_97 = tpu.memref_squeeze %dma_wait3A_96 : memref<1x100000xf32, #tpu.memory_space<hbm>> -> memref<100000xf32, #tpu.memory_space<hbm>>
        tpu.wait_dma2 semaphore(%run_scoped3A : memref<!tpu.dma_semaphore, #tpu.memory_space<semaphore_mem>>) src(%dma_wait3A_97 : memref<100000xf32, #tpu.memory_space<hbm>>) dst(%arg5 : memref<100000xf32, #tpu.memory_space<vmem>>)
        tpu.yield
      }) : () -> ()
      %dma_start3A = arith.constant 0 : i32
      %dma_start3A_28 = arith.constant 0 : i32
      %dma_start3A_29 = tpu.memref_slice %arg6[%dma_start3A, %dma_start3A_28] : memref<2x6400xi32, #tpu.memory_space<vmem>> -> memref<1x6400xi32, #tpu.memory_space<vmem>>
      %dma_start3A_30 = tpu.memref_squeeze %dma_start3A_29 : memref<1x6400xi32, #tpu.memory_space<vmem>> -> memref<6400xi32, #tpu.memory_space<vmem>>
      %dma_start3A_31 = arith.constant 0 : i32
      %dma_start3A_32 = tpu.memref_slice %arg3[%select_n3A, %dma_start3A_31] : memref<26x51200xi32, #tpu.memory_space<hbm>> -> memref<1x6400xi32, #tpu.memory_space<hbm>>
      %dma_start3A_33 = tpu.memref_squeeze %dma_start3A_32 : memref<1x6400xi32, #tpu.memory_space<hbm>> -> memref<6400xi32, #tpu.memory_space<hbm>>
      %dma_start3A_34 = arith.constant 0 : i32
      %dma_start3A_35 = tpu.memref_slice %arg6[%dma_start3A, %dma_start3A_34] : memref<2x6400xi32, #tpu.memory_space<vmem>> -> memref<1x6400xi32, #tpu.memory_space<vmem>>
      %dma_start3A_36 = tpu.memref_squeeze %dma_start3A_35 : memref<1x6400xi32, #tpu.memory_space<vmem>> -> memref<6400xi32, #tpu.memory_space<vmem>>
      %dma_start3A_37 = arith.constant 0 : i32
      %dma_start3A_38 = tpu.memref_slice %arg3[%select_n3A, %dma_start3A_37] : memref<26x51200xi32, #tpu.memory_space<hbm>> -> memref<1x6400xi32, #tpu.memory_space<hbm>>
      %dma_start3A_39 = tpu.memref_squeeze %dma_start3A_38 : memref<1x6400xi32, #tpu.memory_space<hbm>> -> memref<6400xi32, #tpu.memory_space<hbm>>
      tpu.enqueue_dma source(%dma_start3A_39 : memref<6400xi32, #tpu.memory_space<hbm>>) target(%dma_start3A_36 : memref<6400xi32, #tpu.memory_space<vmem>>) target_semaphore(%arg8 : memref<!tpu.dma_semaphore, #tpu.memory_space<semaphore_mem>>)
      %dma_start3A_40 = arith.constant 1 : i32
      %dma_start3A_41 = arith.constant 0 : i32
      %dma_start3A_42 = tpu.memref_slice %arg6[%dma_start3A_40, %dma_start3A_41] : memref<2x6400xi32, #tpu.memory_space<vmem>> -> memref<1x6400xi32, #tpu.memory_space<vmem>>
      %dma_start3A_43 = tpu.memref_squeeze %dma_start3A_42 : memref<1x6400xi32, #tpu.memory_space<vmem>> -> memref<6400xi32, #tpu.memory_space<vmem>>
      %dma_start3A_44 = arith.constant 6400 : i32
      %dma_start3A_45 = tpu.memref_slice %arg3[%select_n3A, %dma_start3A_44] : memref<26x51200xi32, #tpu.memory_space<hbm>> -> memref<1x6400xi32, #tpu.memory_space<hbm>>
      %dma_start3A_46 = tpu.memref_squeeze %dma_start3A_45 : memref<1x6400xi32, #tpu.memory_space<hbm>> -> memref<6400xi32, #tpu.memory_space<hbm>>
      %dma_start3A_47 = arith.constant 0 : i32
      %dma_start3A_48 = tpu.memref_slice %arg6[%dma_start3A_40, %dma_start3A_47] : memref<2x6400xi32, #tpu.memory_space<vmem>> -> memref<1x6400xi32, #tpu.memory_space<vmem>>
      %dma_start3A_49 = tpu.memref_squeeze %dma_start3A_48 : memref<1x6400xi32, #tpu.memory_space<vmem>> -> memref<6400xi32, #tpu.memory_space<vmem>>
      %dma_start3A_50 = arith.constant 6400 : i32
      %dma_start3A_51 = tpu.memref_slice %arg3[%select_n3A, %dma_start3A_50] : memref<26x51200xi32, #tpu.memory_space<hbm>> -> memref<1x6400xi32, #tpu.memory_space<hbm>>
      %dma_start3A_52 = tpu.memref_squeeze %dma_start3A_51 : memref<1x6400xi32, #tpu.memory_space<hbm>> -> memref<6400xi32, #tpu.memory_space<hbm>>
      tpu.enqueue_dma source(%dma_start3A_52 : memref<6400xi32, #tpu.memory_space<hbm>>) target(%dma_start3A_49 : memref<6400xi32, #tpu.memory_space<vmem>>) target_semaphore(%arg9 : memref<!tpu.dma_semaphore, #tpu.memory_space<semaphore_mem>>)
      %scan3A_53 = arith.constant 0 : i32
      %scan3A_54 = arith.constant 0 : i32
      %scan3A_55 = arith.constant 4 : i32
      %scan3A_56 = arith.addi %scan3A_54, %scan3A_55 : i32
      %scan3A_57 = arith.constant 1 : i32
      %scan3A_58 = scf.for %scan3A_86 = %scan3A_54 to %scan3A_56 step %scan3A_57 iter_args(%scan3A_87 = %scan3A_53) -> (i32)  : i32 {
        %mul3A_88 = arith.constant 2 : i32
        %mul3A_89 = arith.muli %scan3A_86, %mul3A_88 : i32
        %add3A_90 = arith.constant 0 : i32
        %add3A_91 = arith.addi %mul3A_89, %add3A_90 : i32
        %mul3A_92 = arith.constant 6400 : i32
        %mul3A_93 = arith.muli %add3A_91, %mul3A_92 : i32
        %dma_wait3A_94 = arith.constant 0 : i32
        %dma_wait3A_95 = arith.constant 0 : i32
        %dma_wait3A_96 = tpu.memref_slice %arg6[%dma_wait3A_94, %dma_wait3A_95] : memref<2x6400xi32, #tpu.memory_space<vmem>> -> memref<1x6400xi32, #tpu.memory_space<vmem>>
        %dma_wait3A_97 = tpu.memref_squeeze %dma_wait3A_96 : memref<1x6400xi32, #tpu.memory_space<vmem>> -> memref<6400xi32, #tpu.memory_space<vmem>>
        %dma_wait3A_98 = tpu.memref_slice %arg3[%select_n3A, %mul3A_93] : memref<26x51200xi32, #tpu.memory_space<hbm>> -> memref<1x6400xi32, #tpu.memory_space<hbm>>
        %dma_wait3A_99 = tpu.memref_squeeze %dma_wait3A_98 : memref<1x6400xi32, #tpu.memory_space<hbm>> -> memref<6400xi32, #tpu.memory_space<hbm>>
        %dma_wait3A_100 = arith.constant 0 : i32
        %dma_wait3A_101 = tpu.memref_slice %arg6[%dma_wait3A_94, %dma_wait3A_100] : memref<2x6400xi32, #tpu.memory_space<vmem>> -> memref<1x6400xi32, #tpu.memory_space<vmem>>
        %dma_wait3A_102 = tpu.memref_squeeze %dma_wait3A_101 : memref<1x6400xi32, #tpu.memory_space<vmem>> -> memref<6400xi32, #tpu.memory_space<vmem>>
        %dma_wait3A_103 = tpu.memref_slice %arg3[%select_n3A, %mul3A_93] : memref<26x51200xi32, #tpu.memory_space<hbm>> -> memref<1x6400xi32, #tpu.memory_space<hbm>>
        %dma_wait3A_104 = tpu.memref_squeeze %dma_wait3A_103 : memref<1x6400xi32, #tpu.memory_space<hbm>> -> memref<6400xi32, #tpu.memory_space<hbm>>
        tpu.wait_dma2 semaphore(%arg8 : memref<!tpu.dma_semaphore, #tpu.memory_space<semaphore_mem>>) src(%dma_wait3A_104 : memref<6400xi32, #tpu.memory_space<hbm>>) dst(%dma_wait3A_102 : memref<6400xi32, #tpu.memory_space<vmem>>)
        %ge3A = arith.constant 2 : i32
        %ge3A_105 = arith.cmpi sge, %add3A_91, %ge3A : i32
        %convert_element_type3A = arith.extui %ge3A_105 : i1 to i32
        %cond3A = arith.constant 0 : i32
        %cond3A_106 = arith.cmpi ne, %convert_element_type3A, %cond3A : i32
        scf.if %cond3A_106 {
          %sub3A_183 = arith.constant 2 : i32
          %sub3A_184 = arith.subi %add3A_91, %sub3A_183 : i32
          %mul3A_185 = arith.constant 6400 : i32
          %mul3A_186 = arith.muli %sub3A_184, %mul3A_185 : i32
          %dma_wait3A_187 = arith.constant 0 : i32
          %dma_wait3A_188 = arith.constant 0 : i32
          %dma_wait3A_189 = tpu.memref_slice %arg7[%dma_wait3A_187, %dma_wait3A_188] : memref<2x6400xf32, #tpu.memory_space<vmem>> -> memref<1x6400xf32, #tpu.memory_space<vmem>>
          %dma_wait3A_190 = tpu.memref_squeeze %dma_wait3A_189 : memref<1x6400xf32, #tpu.memory_space<vmem>> -> memref<6400xf32, #tpu.memory_space<vmem>>
          %dma_wait3A_191 = tpu.memref_slice %arg4[%add3A_11, %mul3A_186] : memref<832x51200xf32, #tpu.memory_space<hbm>> -> memref<1x6400xf32, #tpu.memory_space<hbm>>
          %dma_wait3A_192 = tpu.memref_squeeze %dma_wait3A_191 : memref<1x6400xf32, #tpu.memory_space<hbm>> -> memref<6400xf32, #tpu.memory_space<hbm>>
          %dma_wait3A_193 = tpu.memref_slice %arg4[%add3A_11, %mul3A_186] : memref<832x51200xf32, #tpu.memory_space<hbm>> -> memref<1x6400xf32, #tpu.memory_space<hbm>>
          %dma_wait3A_194 = tpu.memref_squeeze %dma_wait3A_193 : memref<1x6400xf32, #tpu.memory_space<hbm>> -> memref<6400xf32, #tpu.memory_space<hbm>>
          %dma_wait3A_195 = arith.constant 0 : i32
          %dma_wait3A_196 = tpu.memref_slice %arg7[%dma_wait3A_187, %dma_wait3A_195] : memref<2x6400xf32, #tpu.memory_space<vmem>> -> memref<1x6400xf32, #tpu.memory_space<vmem>>
          %dma_wait3A_197 = tpu.memref_squeeze %dma_wait3A_196 : memref<1x6400xf32, #tpu.memory_space<vmem>> -> memref<6400xf32, #tpu.memory_space<vmem>>
          tpu.wait_dma2 semaphore(%arg10 : memref<!tpu.dma_semaphore, #tpu.memory_space<semaphore_mem>>) src(%dma_wait3A_197 : memref<6400xf32, #tpu.memory_space<vmem>>) dst(%dma_wait3A_194 : memref<6400xf32, #tpu.memory_space<hbm>>)
        } else {
        }
        %scan3A_107 = arith.constant 0 : i32
        %scan3A_108 = arith.constant 0 : i32
        %scan3A_109 = arith.constant 25 : i32
        %scan3A_110 = arith.addi %scan3A_108, %scan3A_109 : i32
        %scan3A_111 = arith.constant 1 : i32
        %scan3A_112 = scf.for %scan3A_183 = %scan3A_108 to %scan3A_110 step %scan3A_111 iter_args(%scan3A_184 = %scan3A_107) -> (i32)  : i32 {
          %mul3A_185 = arith.constant 256 : i32
          %mul3A_186 = arith.muli %scan3A_183, %mul3A_185 : i32
          %add3A_187 = arith.constant 0 : i32
          %add3A_188 = arith.addi %mul3A_186, %add3A_187 : i32
          %get3A = arith.constant 0 : i32
          %get3A_189 = arith.index_cast %get3A : i32 to index
          %get3A_190 = arith.index_cast %add3A_188 : i32 to index
          %get3A_191 = tpu.vector_load %arg6[%get3A_189, %get3A_190] {strides = array<i32>} : memref<2x6400xi32, #tpu.memory_space<vmem>>, vector<16xi32>,
          %gather3A = tpu.vector_load_idx %arg5[%get3A_191] : memref<100000xf32, #tpu.memory_space<vmem>>[vector<16xi32>], vector<16xf32>,
          %add3A_192 = arith.constant 0 : i32
          %add3A_193 = arith.addi %mul3A_186, %add3A_192 : i32
          %swap3A = arith.constant 0 : i32
          %swap3A_194 = arith.index_cast %swap3A : i32 to index
          %swap3A_195 = arith.index_cast %add3A_193 : i32 to index
          %swap3A_196 = tpu.vector_load %arg7[%swap3A_194, %swap3A_195] {strides = array<i32>} : memref<2x6400xf32, #tpu.memory_space<vmem>>, vector<16xf32>,
          tpu.vector_store %arg7[%swap3A_194, %swap3A_195], %gather3A {strides = array<i32>} : memref<2x6400xf32, #tpu.memory_space<vmem>>, vector<16xf32>,
          %add3A_197 = arith.constant 16 : i32
          %add3A_198 = arith.addi %mul3A_186, %add3A_197 : i32
          %get3A_199 = arith.constant 0 : i32
          %get3A_200 = arith.index_cast %get3A_199 : i32 to index
          %get3A_201 = arith.index_cast %add3A_198 : i32 to index
          %get3A_202 = tpu.vector_load %arg6[%get3A_200, %get3A_201] {strides = array<i32>} : memref<2x6400xi32, #tpu.memory_space<vmem>>, vector<16xi32>,
          %gather3A_203 = tpu.vector_load_idx %arg5[%get3A_202] : memref<100000xf32, #tpu.memory_space<vmem>>[vector<16xi32>], vector<16xf32>,
          %add3A_204 = arith.constant 16 : i32
          %add3A_205 = arith.addi %mul3A_186, %add3A_204 : i32
          %swap3A_206 = arith.constant 0 : i32
          %swap3A_207 = arith.index_cast %swap3A_206 : i32 to index
          %swap3A_208 = arith.index_cast %add3A_205 : i32 to index
          %swap3A_209 = tpu.vector_load %arg7[%swap3A_207, %swap3A_208] {strides = array<i32>} : memref<2x6400xf32, #tpu.memory_space<vmem>>, vector<16xf32>,
          tpu.vector_store %arg7[%swap3A_207, %swap3A_208], %gather3A_203 {strides = array<i32>} : memref<2x6400xf32, #tpu.memory_space<vmem>>, vector<16xf32>,
          %add3A_210 = arith.constant 32 : i32
          %add3A_211 = arith.addi %mul3A_186, %add3A_210 : i32
          %get3A_212 = arith.constant 0 : i32
          %get3A_213 = arith.index_cast %get3A_212 : i32 to index
          %get3A_214 = arith.index_cast %add3A_211 : i32 to index
          %get3A_215 = tpu.vector_load %arg6[%get3A_213, %get3A_214] {strides = array<i32>} : memref<2x6400xi32, #tpu.memory_space<vmem>>, vector<16xi32>,
          %gather3A_216 = tpu.vector_load_idx %arg5[%get3A_215] : memref<100000xf32, #tpu.memory_space<vmem>>[vector<16xi32>], vector<16xf32>,
          %add3A_217 = arith.constant 32 : i32
          %add3A_218 = arith.addi %mul3A_186, %add3A_217 : i32
          %swap3A_219 = arith.constant 0 : i32
          %swap3A_220 = arith.index_cast %swap3A_219 : i32 to index
          %swap3A_221 = arith.index_cast %add3A_218 : i32 to index
          %swap3A_222 = tpu.vector_load %arg7[%swap3A_220, %swap3A_221] {strides = array<i32>} : memref<2x6400xf32, #tpu.memory_space<vmem>>, vector<16xf32>,
          tpu.vector_store %arg7[%swap3A_220, %swap3A_221], %gather3A_216 {strides = array<i32>} : memref<2x6400xf32, #tpu.memory_space<vmem>>, vector<16xf32>,
          %add3A_223 = arith.constant 48 : i32
          %add3A_224 = arith.addi %mul3A_186, %add3A_223 : i32
          %get3A_225 = arith.constant 0 : i32
          %get3A_226 = arith.index_cast %get3A_225 : i32 to index
          %get3A_227 = arith.index_cast %add3A_224 : i32 to index
          %get3A_228 = tpu.vector_load %arg6[%get3A_226, %get3A_227] {strides = array<i32>} : memref<2x6400xi32, #tpu.memory_space<vmem>>, vector<16xi32>,
          %gather3A_229 = tpu.vector_load_idx %arg5[%get3A_228] : memref<100000xf32, #tpu.memory_space<vmem>>[vector<16xi32>], vector<16xf32>,
          %add3A_230 = arith.constant 48 : i32
          %add3A_231 = arith.addi %mul3A_186, %add3A_230 : i32
          %swap3A_232 = arith.constant 0 : i32
          %swap3A_233 = arith.index_cast %swap3A_232 : i32 to index
          %swap3A_234 = arith.index_cast %add3A_231 : i32 to index
          %swap3A_235 = tpu.vector_load %arg7[%swap3A_233, %swap3A_234] {strides = array<i32>} : memref<2x6400xf32, #tpu.memory_space<vmem>>, vector<16xf32>,
          tpu.vector_store %arg7[%swap3A_233, %swap3A_234], %gather3A_229 {strides = array<i32>} : memref<2x6400xf32, #tpu.memory_space<vmem>>, vector<16xf32>,
          %add3A_236 = arith.constant 64 : i32
          %add3A_237 = arith.addi %mul3A_186, %add3A_236 : i32
          %get3A_238 = arith.constant 0 : i32
          %get3A_239 = arith.index_cast %get3A_238 : i32 to index
          %get3A_240 = arith.index_cast %add3A_237 : i32 to index
          %get3A_241 = tpu.vector_load %arg6[%get3A_239, %get3A_240] {strides = array<i32>} : memref<2x6400xi32, #tpu.memory_space<vmem>>, vector<16xi32>,
          %gather3A_242 = tpu.vector_load_idx %arg5[%get3A_241] : memref<100000xf32, #tpu.memory_space<vmem>>[vector<16xi32>], vector<16xf32>,
          %add3A_243 = arith.constant 64 : i32
          %add3A_244 = arith.addi %mul3A_186, %add3A_243 : i32
          %swap3A_245 = arith.constant 0 : i32
          %swap3A_246 = arith.index_cast %swap3A_245 : i32 to index
          %swap3A_247 = arith.index_cast %add3A_244 : i32 to index
          %swap3A_248 = tpu.vector_load %arg7[%swap3A_246, %swap3A_247] {strides = array<i32>} : memref<2x6400xf32, #tpu.memory_space<vmem>>, vector<16xf32>,
          tpu.vector_store %arg7[%swap3A_246, %swap3A_247], %gather3A_242 {strides = array<i32>} : memref<2x6400xf32, #tpu.memory_space<vmem>>, vector<16xf32>,
          %add3A_249 = arith.constant 80 : i32
          %add3A_250 = arith.addi %mul3A_186, %add3A_249 : i32
          %get3A_251 = arith.constant 0 : i32
          %get3A_252 = arith.index_cast %get3A_251 : i32 to index
          %get3A_253 = arith.index_cast %add3A_250 : i32 to index
          %get3A_254 = tpu.vector_load %arg6[%get3A_252, %get3A_253] {strides = array<i32>} : memref<2x6400xi32, #tpu.memory_space<vmem>>, vector<16xi32>,
          %gather3A_255 = tpu.vector_load_idx %arg5[%get3A_254] : memref<100000xf32, #tpu.memory_space<vmem>>[vector<16xi32>], vector<16xf32>,
          %add3A_256 = arith.constant 80 : i32
          %add3A_257 = arith.addi %mul3A_186, %add3A_256 : i32
          %swap3A_258 = arith.constant 0 : i32
          %swap3A_259 = arith.index_cast %swap3A_258 : i32 to index
          %swap3A_260 = arith.index_cast %add3A_257 : i32 to index
          %swap3A_261 = tpu.vector_load %arg7[%swap3A_259, %swap3A_260] {strides = array<i32>} : memref<2x6400xf32, #tpu.memory_space<vmem>>, vector<16xf32>,
          tpu.vector_store %arg7[%swap3A_259, %swap3A_260], %gather3A_255 {strides = array<i32>} : memref<2x6400xf32, #tpu.memory_space<vmem>>, vector<16xf32>,
          %add3A_262 = arith.constant 96 : i32
          %add3A_263 = arith.addi %mul3A_186, %add3A_262 : i32
          %get3A_264 = arith.constant 0 : i32
          %get3A_265 = arith.index_cast %get3A_264 : i32 to index
          %get3A_266 = arith.index_cast %add3A_263 : i32 to index
          %get3A_267 = tpu.vector_load %arg6[%get3A_265, %get3A_266] {strides = array<i32>} : memref<2x6400xi32, #tpu.memory_space<vmem>>, vector<16xi32>,
          %gather3A_268 = tpu.vector_load_idx %arg5[%get3A_267] : memref<100000xf32, #tpu.memory_space<vmem>>[vector<16xi32>], vector<16xf32>,
          %add3A_269 = arith.constant 96 : i32
          %add3A_270 = arith.addi %mul3A_186, %add3A_269 : i32
          %swap3A_271 = arith.constant 0 : i32
          %swap3A_272 = arith.index_cast %swap3A_271 : i32 to index
          %swap3A_273 = arith.index_cast %add3A_270 : i32 to index
          %swap3A_274 = tpu.vector_load %arg7[%swap3A_272, %swap3A_273] {strides = array<i32>} : memref<2x6400xf32, #tpu.memory_space<vmem>>, vector<16xf32>,
          tpu.vector_store %arg7[%swap3A_272, %swap3A_273], %gather3A_268 {strides = array<i32>} : memref<2x6400xf32, #tpu.memory_space<vmem>>, vector<16xf32>,
          %add3A_275 = arith.constant 112 : i32
          %add3A_276 = arith.addi %mul3A_186, %add3A_275 : i32
          %get3A_277 = arith.constant 0 : i32
          %get3A_278 = arith.index_cast %get3A_277 : i32 to index
          %get3A_279 = arith.index_cast %add3A_276 : i32 to index
          %get3A_280 = tpu.vector_load %arg6[%get3A_278, %get3A_279] {strides = array<i32>} : memref<2x6400xi32, #tpu.memory_space<vmem>>, vector<16xi32>,
          %gather3A_281 = tpu.vector_load_idx %arg5[%get3A_280] : memref<100000xf32, #tpu.memory_space<vmem>>[vector<16xi32>], vector<16xf32>,
          %add3A_282 = arith.constant 112 : i32
          %add3A_283 = arith.addi %mul3A_186, %add3A_282 : i32
          %swap3A_284 = arith.constant 0 : i32
          %swap3A_285 = arith.index_cast %swap3A_284 : i32 to index
          %swap3A_286 = arith.index_cast %add3A_283 : i32 to index
          %swap3A_287 = tpu.vector_load %arg7[%swap3A_285, %swap3A_286] {strides = array<i32>} : memref<2x6400xf32, #tpu.memory_space<vmem>>, vector<16xf32>,
          tpu.vector_store %arg7[%swap3A_285, %swap3A_286], %gather3A_281 {strides = array<i32>} : memref<2x6400xf32, #tpu.memory_space<vmem>>, vector<16xf32>,
          %add3A_288 = arith.constant 128 : i32
          %add3A_289 = arith.addi %mul3A_186, %add3A_288 : i32
          %get3A_290 = arith.constant 0 : i32
          %get3A_291 = arith.index_cast %get3A_290 : i32 to index
          %get3A_292 = arith.index_cast %add3A_289 : i32 to index
          %get3A_293 = tpu.vector_load %arg6[%get3A_291, %get3A_292] {strides = array<i32>} : memref<2x6400xi32, #tpu.memory_space<vmem>>, vector<16xi32>,
          %gather3A_294 = tpu.vector_load_idx %arg5[%get3A_293] : memref<100000xf32, #tpu.memory_space<vmem>>[vector<16xi32>], vector<16xf32>,
          %add3A_295 = arith.constant 128 : i32
          %add3A_296 = arith.addi %mul3A_186, %add3A_295 : i32
          %swap3A_297 = arith.constant 0 : i32
          %swap3A_298 = arith.index_cast %swap3A_297 : i32 to index
          %swap3A_299 = arith.index_cast %add3A_296 : i32 to index
          %swap3A_300 = tpu.vector_load %arg7[%swap3A_298, %swap3A_299] {strides = array<i32>} : memref<2x6400xf32, #tpu.memory_space<vmem>>, vector<16xf32>,
          tpu.vector_store %arg7[%swap3A_298, %swap3A_299], %gather3A_294 {strides = array<i32>} : memref<2x6400xf32, #tpu.memory_space<vmem>>, vector<16xf32>,
          %add3A_301 = arith.constant 144 : i32
          %add3A_302 = arith.addi %mul3A_186, %add3A_301 : i32
          %get3A_303 = arith.constant 0 : i32
          %get3A_304 = arith.index_cast %get3A_303 : i32 to index
          %get3A_305 = arith.index_cast %add3A_302 : i32 to index
          %get3A_306 = tpu.vector_load %arg6[%get3A_304, %get3A_305] {strides = array<i32>} : memref<2x6400xi32, #tpu.memory_space<vmem>>, vector<16xi32>,
          %gather3A_307 = tpu.vector_load_idx %arg5[%get3A_306] : memref<100000xf32, #tpu.memory_space<vmem>>[vector<16xi32>], vector<16xf32>,
          %add3A_308 = arith.constant 144 : i32
          %add3A_309 = arith.addi %mul3A_186, %add3A_308 : i32
          %swap3A_310 = arith.constant 0 : i32
          %swap3A_311 = arith.index_cast %swap3A_310 : i32 to index
          %swap3A_312 = arith.index_cast %add3A_309 : i32 to index
          %swap3A_313 = tpu.vector_load %arg7[%swap3A_311, %swap3A_312] {strides = array<i32>} : memref<2x6400xf32, #tpu.memory_space<vmem>>, vector<16xf32>,
          tpu.vector_store %arg7[%swap3A_311, %swap3A_312], %gather3A_307 {strides = array<i32>} : memref<2x6400xf32, #tpu.memory_space<vmem>>, vector<16xf32>,
          %add3A_314 = arith.constant 160 : i32
          %add3A_315 = arith.addi %mul3A_186, %add3A_314 : i32
          %get3A_316 = arith.constant 0 : i32
          %get3A_317 = arith.index_cast %get3A_316 : i32 to index
          %get3A_318 = arith.index_cast %add3A_315 : i32 to index
          %get3A_319 = tpu.vector_load %arg6[%get3A_317, %get3A_318] {strides = array<i32>} : memref<2x6400xi32, #tpu.memory_space<vmem>>, vector<16xi32>,
          %gather3A_320 = tpu.vector_load_idx %arg5[%get3A_319] : memref<100000xf32, #tpu.memory_space<vmem>>[vector<16xi32>], vector<16xf32>,
          %add3A_321 = arith.constant 160 : i32
          %add3A_322 = arith.addi %mul3A_186, %add3A_321 : i32
          %swap3A_323 = arith.constant 0 : i32
          %swap3A_324 = arith.index_cast %swap3A_323 : i32 to index
          %swap3A_325 = arith.index_cast %add3A_322 : i32 to index
          %swap3A_326 = tpu.vector_load %arg7[%swap3A_324, %swap3A_325] {strides = array<i32>} : memref<2x6400xf32, #tpu.memory_space<vmem>>, vector<16xf32>,
          tpu.vector_store %arg7[%swap3A_324, %swap3A_325], %gather3A_320 {strides = array<i32>} : memref<2x6400xf32, #tpu.memory_space<vmem>>, vector<16xf32>,
          %add3A_327 = arith.constant 176 : i32
          %add3A_328 = arith.addi %mul3A_186, %add3A_327 : i32
          %get3A_329 = arith.constant 0 : i32
          %get3A_330 = arith.index_cast %get3A_329 : i32 to index
          %get3A_331 = arith.index_cast %add3A_328 : i32 to index
          %get3A_332 = tpu.vector_load %arg6[%get3A_330, %get3A_331] {strides = array<i32>} : memref<2x6400xi32, #tpu.memory_space<vmem>>, vector<16xi32>,
          %gather3A_333 = tpu.vector_load_idx %arg5[%get3A_332] : memref<100000xf32, #tpu.memory_space<vmem>>[vector<16xi32>], vector<16xf32>,
          %add3A_334 = arith.constant 176 : i32
          %add3A_335 = arith.addi %mul3A_186, %add3A_334 : i32
          %swap3A_336 = arith.constant 0 : i32
          %swap3A_337 = arith.index_cast %swap3A_336 : i32 to index
          %swap3A_338 = arith.index_cast %add3A_335 : i32 to index
          %swap3A_339 = tpu.vector_load %arg7[%swap3A_337, %swap3A_338] {strides = array<i32>} : memref<2x6400xf32, #tpu.memory_space<vmem>>, vector<16xf32>,
          tpu.vector_store %arg7[%swap3A_337, %swap3A_338], %gather3A_333 {strides = array<i32>} : memref<2x6400xf32, #tpu.memory_space<vmem>>, vector<16xf32>,
          %add3A_340 = arith.constant 192 : i32
          %add3A_341 = arith.addi %mul3A_186, %add3A_340 : i32
          %get3A_342 = arith.constant 0 : i32
          %get3A_343 = arith.index_cast %get3A_342 : i32 to index
          %get3A_344 = arith.index_cast %add3A_341 : i32 to index
          %get3A_345 = tpu.vector_load %arg6[%get3A_343, %get3A_344] {strides = array<i32>} : memref<2x6400xi32, #tpu.memory_space<vmem>>, vector<16xi32>,
          %gather3A_346 = tpu.vector_load_idx %arg5[%get3A_345] : memref<100000xf32, #tpu.memory_space<vmem>>[vector<16xi32>], vector<16xf32>,
          %add3A_347 = arith.constant 192 : i32
          %add3A_348 = arith.addi %mul3A_186, %add3A_347 : i32
          %swap3A_349 = arith.constant 0 : i32
          %swap3A_350 = arith.index_cast %swap3A_349 : i32 to index
          %swap3A_351 = arith.index_cast %add3A_348 : i32 to index
          %swap3A_352 = tpu.vector_load %arg7[%swap3A_350, %swap3A_351] {strides = array<i32>} : memref<2x6400xf32, #tpu.memory_space<vmem>>, vector<16xf32>,
          tpu.vector_store %arg7[%swap3A_350, %swap3A_351], %gather3A_346 {strides = array<i32>} : memref<2x6400xf32, #tpu.memory_space<vmem>>, vector<16xf32>,
          %add3A_353 = arith.constant 208 : i32
          %add3A_354 = arith.addi %mul3A_186, %add3A_353 : i32
          %get3A_355 = arith.constant 0 : i32
          %get3A_356 = arith.index_cast %get3A_355 : i32 to index
          %get3A_357 = arith.index_cast %add3A_354 : i32 to index
          %get3A_358 = tpu.vector_load %arg6[%get3A_356, %get3A_357] {strides = array<i32>} : memref<2x6400xi32, #tpu.memory_space<vmem>>, vector<16xi32>,
          %gather3A_359 = tpu.vector_load_idx %arg5[%get3A_358] : memref<100000xf32, #tpu.memory_space<vmem>>[vector<16xi32>], vector<16xf32>,
          %add3A_360 = arith.constant 208 : i32
          %add3A_361 = arith.addi %mul3A_186, %add3A_360 : i32
          %swap3A_362 = arith.constant 0 : i32
          %swap3A_363 = arith.index_cast %swap3A_362 : i32 to index
          %swap3A_364 = arith.index_cast %add3A_361 : i32 to index
          %swap3A_365 = tpu.vector_load %arg7[%swap3A_363, %swap3A_364] {strides = array<i32>} : memref<2x6400xf32, #tpu.memory_space<vmem>>, vector<16xf32>,
          tpu.vector_store %arg7[%swap3A_363, %swap3A_364], %gather3A_359 {strides = array<i32>} : memref<2x6400xf32, #tpu.memory_space<vmem>>, vector<16xf32>,
          %add3A_366 = arith.constant 224 : i32
          %add3A_367 = arith.addi %mul3A_186, %add3A_366 : i32
          %get3A_368 = arith.constant 0 : i32
          %get3A_369 = arith.index_cast %get3A_368 : i32 to index
          %get3A_370 = arith.index_cast %add3A_367 : i32 to index
          %get3A_371 = tpu.vector_load %arg6[%get3A_369, %get3A_370] {strides = array<i32>} : memref<2x6400xi32, #tpu.memory_space<vmem>>, vector<16xi32>,
          %gather3A_372 = tpu.vector_load_idx %arg5[%get3A_371] : memref<100000xf32, #tpu.memory_space<vmem>>[vector<16xi32>], vector<16xf32>,
          %add3A_373 = arith.constant 224 : i32
          %add3A_374 = arith.addi %mul3A_186, %add3A_373 : i32
          %swap3A_375 = arith.constant 0 : i32
          %swap3A_376 = arith.index_cast %swap3A_375 : i32 to index
          %swap3A_377 = arith.index_cast %add3A_374 : i32 to index
          %swap3A_378 = tpu.vector_load %arg7[%swap3A_376, %swap3A_377] {strides = array<i32>} : memref<2x6400xf32, #tpu.memory_space<vmem>>, vector<16xf32>,
          tpu.vector_store %arg7[%swap3A_376, %swap3A_377], %gather3A_372 {strides = array<i32>} : memref<2x6400xf32, #tpu.memory_space<vmem>>, vector<16xf32>,
          %add3A_379 = arith.constant 240 : i32
          %add3A_380 = arith.addi %mul3A_186, %add3A_379 : i32
          %get3A_381 = arith.constant 0 : i32
          %get3A_382 = arith.index_cast %get3A_381 : i32 to index
          %get3A_383 = arith.index_cast %add3A_380 : i32 to index
          %get3A_384 = tpu.vector_load %arg6[%get3A_382, %get3A_383] {strides = array<i32>} : memref<2x6400xi32, #tpu.memory_space<vmem>>, vector<16xi32>,
          %gather3A_385 = tpu.vector_load_idx %arg5[%get3A_384] : memref<100000xf32, #tpu.memory_space<vmem>>[vector<16xi32>], vector<16xf32>,
          %add3A_386 = arith.constant 240 : i32
          %add3A_387 = arith.addi %mul3A_186, %add3A_386 : i32
          %swap3A_388 = arith.constant 0 : i32
          %swap3A_389 = arith.index_cast %swap3A_388 : i32 to index
          %swap3A_390 = arith.index_cast %add3A_387 : i32 to index
          %swap3A_391 = tpu.vector_load %arg7[%swap3A_389, %swap3A_390] {strides = array<i32>} : memref<2x6400xf32, #tpu.memory_space<vmem>>, vector<16xf32>,
          tpu.vector_store %arg7[%swap3A_389, %swap3A_390], %gather3A_385 {strides = array<i32>} : memref<2x6400xf32, #tpu.memory_space<vmem>>, vector<16xf32>,
          %scan3A_392 = arith.constant 0 : i32
          scf.yield %scan3A_392 : i32
        }
        %scan3A_113 = arith.constant 25 : i32
        %add3A_114 = arith.constant 2 : i32
        %add3A_115 = arith.addi %add3A_91, %add3A_114 : i32
        %lt3A = arith.constant 8 : i32
        %lt3A_116 = arith.cmpi slt, %add3A_115, %lt3A : i32
        %convert_element_type3A_117 = arith.extui %lt3A_116 : i1 to i32
        %cond3A_118 = arith.constant 0 : i32
        %cond3A_119 = arith.cmpi ne, %convert_element_type3A_117, %cond3A_118 : i32
        scf.if %cond3A_119 {
          %add3A_183 = arith.constant 2 : i32
          %add3A_184 = arith.addi %add3A_91, %add3A_183 : i32
          %mul3A_185 = arith.constant 6400 : i32
          %mul3A_186 = arith.muli %add3A_184, %mul3A_185 : i32
          %dma_start3A_187 = arith.constant 0 : i32
          %dma_start3A_188 = arith.constant 0 : i32
          %dma_start3A_189 = tpu.memref_slice %arg6[%dma_start3A_187, %dma_start3A_188] : memref<2x6400xi32, #tpu.memory_space<vmem>> -> memref<1x6400xi32, #tpu.memory_space<vmem>>
          %dma_start3A_190 = tpu.memref_squeeze %dma_start3A_189 : memref<1x6400xi32, #tpu.memory_space<vmem>> -> memref<6400xi32, #tpu.memory_space<vmem>>
          %dma_start3A_191 = tpu.memref_slice %arg3[%select_n3A, %mul3A_186] : memref<26x51200xi32, #tpu.memory_space<hbm>> -> memref<1x6400xi32, #tpu.memory_space<hbm>>
          %dma_start3A_192 = tpu.memref_squeeze %dma_start3A_191 : memref<1x6400xi32, #tpu.memory_space<hbm>> -> memref<6400xi32, #tpu.memory_space<hbm>>
          %dma_start3A_193 = arith.constant 0 : i32
          %dma_start3A_194 = tpu.memref_slice %arg6[%dma_start3A_187, %dma_start3A_193] : memref<2x6400xi32, #tpu.memory_space<vmem>> -> memref<1x6400xi32, #tpu.memory_space<vmem>>
          %dma_start3A_195 = tpu.memref_squeeze %dma_start3A_194 : memref<1x6400xi32, #tpu.memory_space<vmem>> -> memref<6400xi32, #tpu.memory_space<vmem>>
          %dma_start3A_196 = tpu.memref_slice %arg3[%select_n3A, %mul3A_186] : memref<26x51200xi32, #tpu.memory_space<hbm>> -> memref<1x6400xi32, #tpu.memory_space<hbm>>
          %dma_start3A_197 = tpu.memref_squeeze %dma_start3A_196 : memref<1x6400xi32, #tpu.memory_space<hbm>> -> memref<6400xi32, #tpu.memory_space<hbm>>
          tpu.enqueue_dma source(%dma_start3A_197 : memref<6400xi32, #tpu.memory_space<hbm>>) target(%dma_start3A_195 : memref<6400xi32, #tpu.memory_space<vmem>>) target_semaphore(%arg8 : memref<!tpu.dma_semaphore, #tpu.memory_space<semaphore_mem>>)
        } else {
        }
        %mul3A_120 = arith.constant 6400 : i32
        %mul3A_121 = arith.muli %add3A_91, %mul3A_120 : i32
        %dma_start3A_122 = arith.constant 0 : i32
        %dma_start3A_123 = arith.constant 0 : i32
        %dma_start3A_124 = tpu.memref_slice %arg7[%dma_start3A_122, %dma_start3A_123] : memref<2x6400xf32, #tpu.memory_space<vmem>> -> memref<1x6400xf32, #tpu.memory_space<vmem>>
        %dma_start3A_125 = tpu.memref_squeeze %dma_start3A_124 : memref<1x6400xf32, #tpu.memory_space<vmem>> -> memref<6400xf32, #tpu.memory_space<vmem>>
        %dma_start3A_126 = tpu.memref_slice %arg4[%add3A_11, %mul3A_121] : memref<832x51200xf32, #tpu.memory_space<hbm>> -> memref<1x6400xf32, #tpu.memory_space<hbm>>
        %dma_start3A_127 = tpu.memref_squeeze %dma_start3A_126 : memref<1x6400xf32, #tpu.memory_space<hbm>> -> memref<6400xf32, #tpu.memory_space<hbm>>
        %dma_start3A_128 = tpu.memref_slice %arg4[%add3A_11, %mul3A_121] : memref<832x51200xf32, #tpu.memory_space<hbm>> -> memref<1x6400xf32, #tpu.memory_space<hbm>>
        %dma_start3A_129 = tpu.memref_squeeze %dma_start3A_128 : memref<1x6400xf32, #tpu.memory_space<hbm>> -> memref<6400xf32, #tpu.memory_space<hbm>>
        %dma_start3A_130 = arith.constant 0 : i32
        %dma_start3A_131 = tpu.memref_slice %arg7[%dma_start3A_122, %dma_start3A_130] : memref<2x6400xf32, #tpu.memory_space<vmem>> -> memref<1x6400xf32, #tpu.memory_space<vmem>>
        %dma_start3A_132 = tpu.memref_squeeze %dma_start3A_131 : memref<1x6400xf32, #tpu.memory_space<vmem>> -> memref<6400xf32, #tpu.memory_space<vmem>>
        tpu.enqueue_dma source(%dma_start3A_132 : memref<6400xf32, #tpu.memory_space<vmem>>) target(%dma_start3A_129 : memref<6400xf32, #tpu.memory_space<hbm>>) target_semaphore(%arg10 : memref<!tpu.dma_semaphore, #tpu.memory_space<semaphore_mem>>)
        %mul3A_133 = arith.constant 2 : i32
        %mul3A_134 = arith.muli %scan3A_86, %mul3A_133 : i32
        %add3A_135 = arith.constant 1 : i32
        %add3A_136 = arith.addi %mul3A_134, %add3A_135 : i32
        %mul3A_137 = arith.constant 6400 : i32
        %mul3A_138 = arith.muli %add3A_136, %mul3A_137 : i32
        %dma_wait3A_139 = arith.constant 1 : i32
        %dma_wait3A_140 = arith.constant 0 : i32
        %dma_wait3A_141 = tpu.memref_slice %arg6[%dma_wait3A_139, %dma_wait3A_140] : memref<2x6400xi32, #tpu.memory_space<vmem>> -> memref<1x6400xi32, #tpu.memory_space<vmem>>
        %dma_wait3A_142 = tpu.memref_squeeze %dma_wait3A_141 : memref<1x6400xi32, #tpu.memory_space<vmem>> -> memref<6400xi32, #tpu.memory_space<vmem>>
        %dma_wait3A_143 = tpu.memref_slice %arg3[%select_n3A, %mul3A_138] : memref<26x51200xi32, #tpu.memory_space<hbm>> -> memref<1x6400xi32, #tpu.memory_space<hbm>>
        %dma_wait3A_144 = tpu.memref_squeeze %dma_wait3A_143 : memref<1x6400xi32, #tpu.memory_space<hbm>> -> memref<6400xi32, #tpu.memory_space<hbm>>
        %dma_wait3A_145 = arith.constant 0 : i32
        %dma_wait3A_146 = tpu.memref_slice %arg6[%dma_wait3A_139, %dma_wait3A_145] : memref<2x6400xi32, #tpu.memory_space<vmem>> -> memref<1x6400xi32, #tpu.memory_space<vmem>>
        %dma_wait3A_147 = tpu.memref_squeeze %dma_wait3A_146 : memref<1x6400xi32, #tpu.memory_space<vmem>> -> memref<6400xi32, #tpu.memory_space<vmem>>
        %dma_wait3A_148 = tpu.memref_slice %arg3[%select_n3A, %mul3A_138] : memref<26x51200xi32, #tpu.memory_space<hbm>> -> memref<1x6400xi32, #tpu.memory_space<hbm>>
        %dma_wait3A_149 = tpu.memref_squeeze %dma_wait3A_148 : memref<1x6400xi32, #tpu.memory_space<hbm>> -> memref<6400xi32, #tpu.memory_space<hbm>>
        tpu.wait_dma2 semaphore(%arg9 : memref<!tpu.dma_semaphore, #tpu.memory_space<semaphore_mem>>) src(%dma_wait3A_149 : memref<6400xi32, #tpu.memory_space<hbm>>) dst(%dma_wait3A_147 : memref<6400xi32, #tpu.memory_space<vmem>>)
        %ge3A_150 = arith.constant 2 : i32
        %ge3A_151 = arith.cmpi sge, %add3A_136, %ge3A_150 : i32
        %convert_element_type3A_152 = arith.extui %ge3A_151 : i1 to i32
        %cond3A_153 = arith.constant 0 : i32
        %cond3A_154 = arith.cmpi ne, %convert_element_type3A_152, %cond3A_153 : i32
        scf.if %cond3A_154 {
          %sub3A_183 = arith.constant 2 : i32
          %sub3A_184 = arith.subi %add3A_136, %sub3A_183 : i32
          %mul3A_185 = arith.constant 6400 : i32
          %mul3A_186 = arith.muli %sub3A_184, %mul3A_185 : i32
          %dma_wait3A_187 = arith.constant 1 : i32
          %dma_wait3A_188 = arith.constant 0 : i32
          %dma_wait3A_189 = tpu.memref_slice %arg7[%dma_wait3A_187, %dma_wait3A_188] : memref<2x6400xf32, #tpu.memory_space<vmem>> -> memref<1x6400xf32, #tpu.memory_space<vmem>>
          %dma_wait3A_190 = tpu.memref_squeeze %dma_wait3A_189 : memref<1x6400xf32, #tpu.memory_space<vmem>> -> memref<6400xf32, #tpu.memory_space<vmem>>
          %dma_wait3A_191 = tpu.memref_slice %arg4[%add3A_11, %mul3A_186] : memref<832x51200xf32, #tpu.memory_space<hbm>> -> memref<1x6400xf32, #tpu.memory_space<hbm>>
          %dma_wait3A_192 = tpu.memref_squeeze %dma_wait3A_191 : memref<1x6400xf32, #tpu.memory_space<hbm>> -> memref<6400xf32, #tpu.memory_space<hbm>>
          %dma_wait3A_193 = tpu.memref_slice %arg4[%add3A_11, %mul3A_186] : memref<832x51200xf32, #tpu.memory_space<hbm>> -> memref<1x6400xf32, #tpu.memory_space<hbm>>
          %dma_wait3A_194 = tpu.memref_squeeze %dma_wait3A_193 : memref<1x6400xf32, #tpu.memory_space<hbm>> -> memref<6400xf32, #tpu.memory_space<hbm>>
          %dma_wait3A_195 = arith.constant 0 : i32
          %dma_wait3A_196 = tpu.memref_slice %arg7[%dma_wait3A_187, %dma_wait3A_195] : memref<2x6400xf32, #tpu.memory_space<vmem>> -> memref<1x6400xf32, #tpu.memory_space<vmem>>
          %dma_wait3A_197 = tpu.memref_squeeze %dma_wait3A_196 : memref<1x6400xf32, #tpu.memory_space<vmem>> -> memref<6400xf32, #tpu.memory_space<vmem>>
          tpu.wait_dma2 semaphore(%arg11 : memref<!tpu.dma_semaphore, #tpu.memory_space<semaphore_mem>>) src(%dma_wait3A_197 : memref<6400xf32, #tpu.memory_space<vmem>>) dst(%dma_wait3A_194 : memref<6400xf32, #tpu.memory_space<hbm>>)
        } else {
        }
        %scan3A_155 = arith.constant 0 : i32
        %scan3A_156 = arith.constant 0 : i32
        %scan3A_157 = arith.constant 25 : i32
        %scan3A_158 = arith.addi %scan3A_156, %scan3A_157 : i32
        %scan3A_159 = arith.constant 1 : i32
        %scan3A_160 = scf.for %scan3A_183 = %scan3A_156 to %scan3A_158 step %scan3A_159 iter_args(%scan3A_184 = %scan3A_155) -> (i32)  : i32 {
          %mul3A_185 = arith.constant 256 : i32
          %mul3A_186 = arith.muli %scan3A_183, %mul3A_185 : i32
          %add3A_187 = arith.constant 0 : i32
          %add3A_188 = arith.addi %mul3A_186, %add3A_187 : i32
          %get3A = arith.constant 1 : i32
          %get3A_189 = arith.index_cast %get3A : i32 to index
          %get3A_190 = arith.index_cast %add3A_188 : i32 to index
          %get3A_191 = tpu.vector_load %arg6[%get3A_189, %get3A_190] {strides = array<i32>} : memref<2x6400xi32, #tpu.memory_space<vmem>>, vector<16xi32>,
          %gather3A = tpu.vector_load_idx %arg5[%get3A_191] : memref<100000xf32, #tpu.memory_space<vmem>>[vector<16xi32>], vector<16xf32>,
          %add3A_192 = arith.constant 0 : i32
          %add3A_193 = arith.addi %mul3A_186, %add3A_192 : i32
          %swap3A = arith.constant 1 : i32
          %swap3A_194 = arith.index_cast %swap3A : i32 to index
          %swap3A_195 = arith.index_cast %add3A_193 : i32 to index
          %swap3A_196 = tpu.vector_load %arg7[%swap3A_194, %swap3A_195] {strides = array<i32>} : memref<2x6400xf32, #tpu.memory_space<vmem>>, vector<16xf32>,
          tpu.vector_store %arg7[%swap3A_194, %swap3A_195], %gather3A {strides = array<i32>} : memref<2x6400xf32, #tpu.memory_space<vmem>>, vector<16xf32>,
          %add3A_197 = arith.constant 16 : i32
          %add3A_198 = arith.addi %mul3A_186, %add3A_197 : i32
          %get3A_199 = arith.constant 1 : i32
          %get3A_200 = arith.index_cast %get3A_199 : i32 to index
          %get3A_201 = arith.index_cast %add3A_198 : i32 to index
          %get3A_202 = tpu.vector_load %arg6[%get3A_200, %get3A_201] {strides = array<i32>} : memref<2x6400xi32, #tpu.memory_space<vmem>>, vector<16xi32>,
          %gather3A_203 = tpu.vector_load_idx %arg5[%get3A_202] : memref<100000xf32, #tpu.memory_space<vmem>>[vector<16xi32>], vector<16xf32>,
          %add3A_204 = arith.constant 16 : i32
          %add3A_205 = arith.addi %mul3A_186, %add3A_204 : i32
          %swap3A_206 = arith.constant 1 : i32
          %swap3A_207 = arith.index_cast %swap3A_206 : i32 to index
          %swap3A_208 = arith.index_cast %add3A_205 : i32 to index
          %swap3A_209 = tpu.vector_load %arg7[%swap3A_207, %swap3A_208] {strides = array<i32>} : memref<2x6400xf32, #tpu.memory_space<vmem>>, vector<16xf32>,
          tpu.vector_store %arg7[%swap3A_207, %swap3A_208], %gather3A_203 {strides = array<i32>} : memref<2x6400xf32, #tpu.memory_space<vmem>>, vector<16xf32>,
          %add3A_210 = arith.constant 32 : i32
          %add3A_211 = arith.addi %mul3A_186, %add3A_210 : i32
          %get3A_212 = arith.constant 1 : i32
          %get3A_213 = arith.index_cast %get3A_212 : i32 to index
          %get3A_214 = arith.index_cast %add3A_211 : i32 to index
          %get3A_215 = tpu.vector_load %arg6[%get3A_213, %get3A_214] {strides = array<i32>} : memref<2x6400xi32, #tpu.memory_space<vmem>>, vector<16xi32>,
          %gather3A_216 = tpu.vector_load_idx %arg5[%get3A_215] : memref<100000xf32, #tpu.memory_space<vmem>>[vector<16xi32>], vector<16xf32>,
          %add3A_217 = arith.constant 32 : i32
          %add3A_218 = arith.addi %mul3A_186, %add3A_217 : i32
          %swap3A_219 = arith.constant 1 : i32
          %swap3A_220 = arith.index_cast %swap3A_219 : i32 to index
          %swap3A_221 = arith.index_cast %add3A_218 : i32 to index
          %swap3A_222 = tpu.vector_load %arg7[%swap3A_220, %swap3A_221] {strides = array<i32>} : memref<2x6400xf32, #tpu.memory_space<vmem>>, vector<16xf32>,
          tpu.vector_store %arg7[%swap3A_220, %swap3A_221], %gather3A_216 {strides = array<i32>} : memref<2x6400xf32, #tpu.memory_space<vmem>>, vector<16xf32>,
          %add3A_223 = arith.constant 48 : i32
          %add3A_224 = arith.addi %mul3A_186, %add3A_223 : i32
          %get3A_225 = arith.constant 1 : i32
          %get3A_226 = arith.index_cast %get3A_225 : i32 to index
          %get3A_227 = arith.index_cast %add3A_224 : i32 to index
          %get3A_228 = tpu.vector_load %arg6[%get3A_226, %get3A_227] {strides = array<i32>} : memref<2x6400xi32, #tpu.memory_space<vmem>>, vector<16xi32>,
          %gather3A_229 = tpu.vector_load_idx %arg5[%get3A_228] : memref<100000xf32, #tpu.memory_space<vmem>>[vector<16xi32>], vector<16xf32>,
          %add3A_230 = arith.constant 48 : i32
          %add3A_231 = arith.addi %mul3A_186, %add3A_230 : i32
          %swap3A_232 = arith.constant 1 : i32
          %swap3A_233 = arith.index_cast %swap3A_232 : i32 to index
          %swap3A_234 = arith.index_cast %add3A_231 : i32 to index
          %swap3A_235 = tpu.vector_load %arg7[%swap3A_233, %swap3A_234] {strides = array<i32>} : memref<2x6400xf32, #tpu.memory_space<vmem>>, vector<16xf32>,
          tpu.vector_store %arg7[%swap3A_233, %swap3A_234], %gather3A_229 {strides = array<i32>} : memref<2x6400xf32, #tpu.memory_space<vmem>>, vector<16xf32>,
          %add3A_236 = arith.constant 64 : i32
          %add3A_237 = arith.addi %mul3A_186, %add3A_236 : i32
          %get3A_238 = arith.constant 1 : i32
          %get3A_239 = arith.index_cast %get3A_238 : i32 to index
          %get3A_240 = arith.index_cast %add3A_237 : i32 to index
          %get3A_241 = tpu.vector_load %arg6[%get3A_239, %get3A_240] {strides = array<i32>} : memref<2x6400xi32, #tpu.memory_space<vmem>>, vector<16xi32>,
          %gather3A_242 = tpu.vector_load_idx %arg5[%get3A_241] : memref<100000xf32, #tpu.memory_space<vmem>>[vector<16xi32>], vector<16xf32>,
          %add3A_243 = arith.constant 64 : i32
          %add3A_244 = arith.addi %mul3A_186, %add3A_243 : i32
          %swap3A_245 = arith.constant 1 : i32
          %swap3A_246 = arith.index_cast %swap3A_245 : i32 to index
          %swap3A_247 = arith.index_cast %add3A_244 : i32 to index
          %swap3A_248 = tpu.vector_load %arg7[%swap3A_246, %swap3A_247] {strides = array<i32>} : memref<2x6400xf32, #tpu.memory_space<vmem>>, vector<16xf32>,
          tpu.vector_store %arg7[%swap3A_246, %swap3A_247], %gather3A_242 {strides = array<i32>} : memref<2x6400xf32, #tpu.memory_space<vmem>>, vector<16xf32>,
          %add3A_249 = arith.constant 80 : i32
          %add3A_250 = arith.addi %mul3A_186, %add3A_249 : i32
          %get3A_251 = arith.constant 1 : i32
          %get3A_252 = arith.index_cast %get3A_251 : i32 to index
          %get3A_253 = arith.index_cast %add3A_250 : i32 to index
          %get3A_254 = tpu.vector_load %arg6[%get3A_252, %get3A_253] {strides = array<i32>} : memref<2x6400xi32, #tpu.memory_space<vmem>>, vector<16xi32>,
          %gather3A_255 = tpu.vector_load_idx %arg5[%get3A_254] : memref<100000xf32, #tpu.memory_space<vmem>>[vector<16xi32>], vector<16xf32>,
          %add3A_256 = arith.constant 80 : i32
          %add3A_257 = arith.addi %mul3A_186, %add3A_256 : i32
          %swap3A_258 = arith.constant 1 : i32
          %swap3A_259 = arith.index_cast %swap3A_258 : i32 to index
          %swap3A_260 = arith.index_cast %add3A_257 : i32 to index
          %swap3A_261 = tpu.vector_load %arg7[%swap3A_259, %swap3A_260] {strides = array<i32>} : memref<2x6400xf32, #tpu.memory_space<vmem>>, vector<16xf32>,
          tpu.vector_store %arg7[%swap3A_259, %swap3A_260], %gather3A_255 {strides = array<i32>} : memref<2x6400xf32, #tpu.memory_space<vmem>>, vector<16xf32>,
          %add3A_262 = arith.constant 96 : i32
          %add3A_263 = arith.addi %mul3A_186, %add3A_262 : i32
          %get3A_264 = arith.constant 1 : i32
          %get3A_265 = arith.index_cast %get3A_264 : i32 to index
          %get3A_266 = arith.index_cast %add3A_263 : i32 to index
          %get3A_267 = tpu.vector_load %arg6[%get3A_265, %get3A_266] {strides = array<i32>} : memref<2x6400xi32, #tpu.memory_space<vmem>>, vector<16xi32>,
          %gather3A_268 = tpu.vector_load_idx %arg5[%get3A_267] : memref<100000xf32, #tpu.memory_space<vmem>>[vector<16xi32>], vector<16xf32>,
          %add3A_269 = arith.constant 96 : i32
          %add3A_270 = arith.addi %mul3A_186, %add3A_269 : i32
          %swap3A_271 = arith.constant 1 : i32
          %swap3A_272 = arith.index_cast %swap3A_271 : i32 to index
          %swap3A_273 = arith.index_cast %add3A_270 : i32 to index
          %swap3A_274 = tpu.vector_load %arg7[%swap3A_272, %swap3A_273] {strides = array<i32>} : memref<2x6400xf32, #tpu.memory_space<vmem>>, vector<16xf32>,
          tpu.vector_store %arg7[%swap3A_272, %swap3A_273], %gather3A_268 {strides = array<i32>} : memref<2x6400xf32, #tpu.memory_space<vmem>>, vector<16xf32>,
          %add3A_275 = arith.constant 112 : i32
          %add3A_276 = arith.addi %mul3A_186, %add3A_275 : i32
          %get3A_277 = arith.constant 1 : i32
          %get3A_278 = arith.index_cast %get3A_277 : i32 to index
          %get3A_279 = arith.index_cast %add3A_276 : i32 to index
          %get3A_280 = tpu.vector_load %arg6[%get3A_278, %get3A_279] {strides = array<i32>} : memref<2x6400xi32, #tpu.memory_space<vmem>>, vector<16xi32>,
          %gather3A_281 = tpu.vector_load_idx %arg5[%get3A_280] : memref<100000xf32, #tpu.memory_space<vmem>>[vector<16xi32>], vector<16xf32>,
          %add3A_282 = arith.constant 112 : i32
          %add3A_283 = arith.addi %mul3A_186, %add3A_282 : i32
          %swap3A_284 = arith.constant 1 : i32
          %swap3A_285 = arith.index_cast %swap3A_284 : i32 to index
          %swap3A_286 = arith.index_cast %add3A_283 : i32 to index
          %swap3A_287 = tpu.vector_load %arg7[%swap3A_285, %swap3A_286] {strides = array<i32>} : memref<2x6400xf32, #tpu.memory_space<vmem>>, vector<16xf32>,
          tpu.vector_store %arg7[%swap3A_285, %swap3A_286], %gather3A_281 {strides = array<i32>} : memref<2x6400xf32, #tpu.memory_space<vmem>>, vector<16xf32>,
          %add3A_288 = arith.constant 128 : i32
          %add3A_289 = arith.addi %mul3A_186, %add3A_288 : i32
          %get3A_290 = arith.constant 1 : i32
          %get3A_291 = arith.index_cast %get3A_290 : i32 to index
          %get3A_292 = arith.index_cast %add3A_289 : i32 to index
          %get3A_293 = tpu.vector_load %arg6[%get3A_291, %get3A_292] {strides = array<i32>} : memref<2x6400xi32, #tpu.memory_space<vmem>>, vector<16xi32>,
          %gather3A_294 = tpu.vector_load_idx %arg5[%get3A_293] : memref<100000xf32, #tpu.memory_space<vmem>>[vector<16xi32>], vector<16xf32>,
          %add3A_295 = arith.constant 128 : i32
          %add3A_296 = arith.addi %mul3A_186, %add3A_295 : i32
          %swap3A_297 = arith.constant 1 : i32
          %swap3A_298 = arith.index_cast %swap3A_297 : i32 to index
          %swap3A_299 = arith.index_cast %add3A_296 : i32 to index
          %swap3A_300 = tpu.vector_load %arg7[%swap3A_298, %swap3A_299] {strides = array<i32>} : memref<2x6400xf32, #tpu.memory_space<vmem>>, vector<16xf32>,
          tpu.vector_store %arg7[%swap3A_298, %swap3A_299], %gather3A_294 {strides = array<i32>} : memref<2x6400xf32, #tpu.memory_space<vmem>>, vector<16xf32>,
          %add3A_301 = arith.constant 144 : i32
          %add3A_302 = arith.addi %mul3A_186, %add3A_301 : i32
          %get3A_303 = arith.constant 1 : i32
          %get3A_304 = arith.index_cast %get3A_303 : i32 to index
          %get3A_305 = arith.index_cast %add3A_302 : i32 to index
          %get3A_306 = tpu.vector_load %arg6[%get3A_304, %get3A_305] {strides = array<i32>} : memref<2x6400xi32, #tpu.memory_space<vmem>>, vector<16xi32>,
          %gather3A_307 = tpu.vector_load_idx %arg5[%get3A_306] : memref<100000xf32, #tpu.memory_space<vmem>>[vector<16xi32>], vector<16xf32>,
          %add3A_308 = arith.constant 144 : i32
          %add3A_309 = arith.addi %mul3A_186, %add3A_308 : i32
          %swap3A_310 = arith.constant 1 : i32
          %swap3A_311 = arith.index_cast %swap3A_310 : i32 to index
          %swap3A_312 = arith.index_cast %add3A_309 : i32 to index
          %swap3A_313 = tpu.vector_load %arg7[%swap3A_311, %swap3A_312] {strides = array<i32>} : memref<2x6400xf32, #tpu.memory_space<vmem>>, vector<16xf32>,
          tpu.vector_store %arg7[%swap3A_311, %swap3A_312], %gather3A_307 {strides = array<i32>} : memref<2x6400xf32, #tpu.memory_space<vmem>>, vector<16xf32>,
          %add3A_314 = arith.constant 160 : i32
          %add3A_315 = arith.addi %mul3A_186, %add3A_314 : i32
          %get3A_316 = arith.constant 1 : i32
          %get3A_317 = arith.index_cast %get3A_316 : i32 to index
          %get3A_318 = arith.index_cast %add3A_315 : i32 to index
          %get3A_319 = tpu.vector_load %arg6[%get3A_317, %get3A_318] {strides = array<i32>} : memref<2x6400xi32, #tpu.memory_space<vmem>>, vector<16xi32>,
          %gather3A_320 = tpu.vector_load_idx %arg5[%get3A_319] : memref<100000xf32, #tpu.memory_space<vmem>>[vector<16xi32>], vector<16xf32>,
          %add3A_321 = arith.constant 160 : i32
          %add3A_322 = arith.addi %mul3A_186, %add3A_321 : i32
          %swap3A_323 = arith.constant 1 : i32
          %swap3A_324 = arith.index_cast %swap3A_323 : i32 to index
          %swap3A_325 = arith.index_cast %add3A_322 : i32 to index
          %swap3A_326 = tpu.vector_load %arg7[%swap3A_324, %swap3A_325] {strides = array<i32>} : memref<2x6400xf32, #tpu.memory_space<vmem>>, vector<16xf32>,
          tpu.vector_store %arg7[%swap3A_324, %swap3A_325], %gather3A_320 {strides = array<i32>} : memref<2x6400xf32, #tpu.memory_space<vmem>>, vector<16xf32>,
          %add3A_327 = arith.constant 176 : i32
          %add3A_328 = arith.addi %mul3A_186, %add3A_327 : i32
          %get3A_329 = arith.constant 1 : i32
          %get3A_330 = arith.index_cast %get3A_329 : i32 to index
          %get3A_331 = arith.index_cast %add3A_328 : i32 to index
          %get3A_332 = tpu.vector_load %arg6[%get3A_330, %get3A_331] {strides = array<i32>} : memref<2x6400xi32, #tpu.memory_space<vmem>>, vector<16xi32>,
          %gather3A_333 = tpu.vector_load_idx %arg5[%get3A_332] : memref<100000xf32, #tpu.memory_space<vmem>>[vector<16xi32>], vector<16xf32>,
          %add3A_334 = arith.constant 176 : i32
          %add3A_335 = arith.addi %mul3A_186, %add3A_334 : i32
          %swap3A_336 = arith.constant 1 : i32
          %swap3A_337 = arith.index_cast %swap3A_336 : i32 to index
          %swap3A_338 = arith.index_cast %add3A_335 : i32 to index
          %swap3A_339 = tpu.vector_load %arg7[%swap3A_337, %swap3A_338] {strides = array<i32>} : memref<2x6400xf32, #tpu.memory_space<vmem>>, vector<16xf32>,
          tpu.vector_store %arg7[%swap3A_337, %swap3A_338], %gather3A_333 {strides = array<i32>} : memref<2x6400xf32, #tpu.memory_space<vmem>>, vector<16xf32>,
          %add3A_340 = arith.constant 192 : i32
          %add3A_341 = arith.addi %mul3A_186, %add3A_340 : i32
          %get3A_342 = arith.constant 1 : i32
          %get3A_343 = arith.index_cast %get3A_342 : i32 to index
          %get3A_344 = arith.index_cast %add3A_341 : i32 to index
          %get3A_345 = tpu.vector_load %arg6[%get3A_343, %get3A_344] {strides = array<i32>} : memref<2x6400xi32, #tpu.memory_space<vmem>>, vector<16xi32>,
          %gather3A_346 = tpu.vector_load_idx %arg5[%get3A_345] : memref<100000xf32, #tpu.memory_space<vmem>>[vector<16xi32>], vector<16xf32>,
          %add3A_347 = arith.constant 192 : i32
          %add3A_348 = arith.addi %mul3A_186, %add3A_347 : i32
          %swap3A_349 = arith.constant 1 : i32
          %swap3A_350 = arith.index_cast %swap3A_349 : i32 to index
          %swap3A_351 = arith.index_cast %add3A_348 : i32 to index
          %swap3A_352 = tpu.vector_load %arg7[%swap3A_350, %swap3A_351] {strides = array<i32>} : memref<2x6400xf32, #tpu.memory_space<vmem>>, vector<16xf32>,
          tpu.vector_store %arg7[%swap3A_350, %swap3A_351], %gather3A_346 {strides = array<i32>} : memref<2x6400xf32, #tpu.memory_space<vmem>>, vector<16xf32>,
          %add3A_353 = arith.constant 208 : i32
          %add3A_354 = arith.addi %mul3A_186, %add3A_353 : i32
          %get3A_355 = arith.constant 1 : i32
          %get3A_356 = arith.index_cast %get3A_355 : i32 to index
          %get3A_357 = arith.index_cast %add3A_354 : i32 to index
          %get3A_358 = tpu.vector_load %arg6[%get3A_356, %get3A_357] {strides = array<i32>} : memref<2x6400xi32, #tpu.memory_space<vmem>>, vector<16xi32>,
          %gather3A_359 = tpu.vector_load_idx %arg5[%get3A_358] : memref<100000xf32, #tpu.memory_space<vmem>>[vector<16xi32>], vector<16xf32>,
          %add3A_360 = arith.constant 208 : i32
          %add3A_361 = arith.addi %mul3A_186, %add3A_360 : i32
          %swap3A_362 = arith.constant 1 : i32
          %swap3A_363 = arith.index_cast %swap3A_362 : i32 to index
          %swap3A_364 = arith.index_cast %add3A_361 : i32 to index
          %swap3A_365 = tpu.vector_load %arg7[%swap3A_363, %swap3A_364] {strides = array<i32>} : memref<2x6400xf32, #tpu.memory_space<vmem>>, vector<16xf32>,
          tpu.vector_store %arg7[%swap3A_363, %swap3A_364], %gather3A_359 {strides = array<i32>} : memref<2x6400xf32, #tpu.memory_space<vmem>>, vector<16xf32>,
          %add3A_366 = arith.constant 224 : i32
          %add3A_367 = arith.addi %mul3A_186, %add3A_366 : i32
          %get3A_368 = arith.constant 1 : i32
          %get3A_369 = arith.index_cast %get3A_368 : i32 to index
          %get3A_370 = arith.index_cast %add3A_367 : i32 to index
          %get3A_371 = tpu.vector_load %arg6[%get3A_369, %get3A_370] {strides = array<i32>} : memref<2x6400xi32, #tpu.memory_space<vmem>>, vector<16xi32>,
          %gather3A_372 = tpu.vector_load_idx %arg5[%get3A_371] : memref<100000xf32, #tpu.memory_space<vmem>>[vector<16xi32>], vector<16xf32>,
          %add3A_373 = arith.constant 224 : i32
          %add3A_374 = arith.addi %mul3A_186, %add3A_373 : i32
          %swap3A_375 = arith.constant 1 : i32
          %swap3A_376 = arith.index_cast %swap3A_375 : i32 to index
          %swap3A_377 = arith.index_cast %add3A_374 : i32 to index
          %swap3A_378 = tpu.vector_load %arg7[%swap3A_376, %swap3A_377] {strides = array<i32>} : memref<2x6400xf32, #tpu.memory_space<vmem>>, vector<16xf32>,
          tpu.vector_store %arg7[%swap3A_376, %swap3A_377], %gather3A_372 {strides = array<i32>} : memref<2x6400xf32, #tpu.memory_space<vmem>>, vector<16xf32>,
          %add3A_379 = arith.constant 240 : i32
          %add3A_380 = arith.addi %mul3A_186, %add3A_379 : i32
          %get3A_381 = arith.constant 1 : i32
          %get3A_382 = arith.index_cast %get3A_381 : i32 to index
          %get3A_383 = arith.index_cast %add3A_380 : i32 to index
          %get3A_384 = tpu.vector_load %arg6[%get3A_382, %get3A_383] {strides = array<i32>} : memref<2x6400xi32, #tpu.memory_space<vmem>>, vector<16xi32>,
          %gather3A_385 = tpu.vector_load_idx %arg5[%get3A_384] : memref<100000xf32, #tpu.memory_space<vmem>>[vector<16xi32>], vector<16xf32>,
          %add3A_386 = arith.constant 240 : i32
          %add3A_387 = arith.addi %mul3A_186, %add3A_386 : i32
          %swap3A_388 = arith.constant 1 : i32
          %swap3A_389 = arith.index_cast %swap3A_388 : i32 to index
          %swap3A_390 = arith.index_cast %add3A_387 : i32 to index
          %swap3A_391 = tpu.vector_load %arg7[%swap3A_389, %swap3A_390] {strides = array<i32>} : memref<2x6400xf32, #tpu.memory_space<vmem>>, vector<16xf32>,
          tpu.vector_store %arg7[%swap3A_389, %swap3A_390], %gather3A_385 {strides = array<i32>} : memref<2x6400xf32, #tpu.memory_space<vmem>>, vector<16xf32>,
          %scan3A_392 = arith.constant 0 : i32
          scf.yield %scan3A_392 : i32
        }
        %scan3A_161 = arith.constant 25 : i32
        %add3A_162 = arith.constant 2 : i32
        %add3A_163 = arith.addi %add3A_136, %add3A_162 : i32
        %lt3A_164 = arith.constant 8 : i32
        %lt3A_165 = arith.cmpi slt, %add3A_163, %lt3A_164 : i32
        %convert_element_type3A_166 = arith.extui %lt3A_165 : i1 to i32
        %cond3A_167 = arith.constant 0 : i32
        %cond3A_168 = arith.cmpi ne, %convert_element_type3A_166, %cond3A_167 : i32
        scf.if %cond3A_168 {
          %add3A_183 = arith.constant 2 : i32
          %add3A_184 = arith.addi %add3A_136, %add3A_183 : i32
          %mul3A_185 = arith.constant 6400 : i32
          %mul3A_186 = arith.muli %add3A_184, %mul3A_185 : i32
          %dma_start3A_187 = arith.constant 1 : i32
          %dma_start3A_188 = arith.constant 0 : i32
          %dma_start3A_189 = tpu.memref_slice %arg6[%dma_start3A_187, %dma_start3A_188] : memref<2x6400xi32, #tpu.memory_space<vmem>> -> memref<1x6400xi32, #tpu.memory_space<vmem>>
          %dma_start3A_190 = tpu.memref_squeeze %dma_start3A_189 : memref<1x6400xi32, #tpu.memory_space<vmem>> -> memref<6400xi32, #tpu.memory_space<vmem>>
          %dma_start3A_191 = tpu.memref_slice %arg3[%select_n3A, %mul3A_186] : memref<26x51200xi32, #tpu.memory_space<hbm>> -> memref<1x6400xi32, #tpu.memory_space<hbm>>
          %dma_start3A_192 = tpu.memref_squeeze %dma_start3A_191 : memref<1x6400xi32, #tpu.memory_space<hbm>> -> memref<6400xi32, #tpu.memory_space<hbm>>
          %dma_start3A_193 = arith.constant 0 : i32
          %dma_start3A_194 = tpu.memref_slice %arg6[%dma_start3A_187, %dma_start3A_193] : memref<2x6400xi32, #tpu.memory_space<vmem>> -> memref<1x6400xi32, #tpu.memory_space<vmem>>
          %dma_start3A_195 = tpu.memref_squeeze %dma_start3A_194 : memref<1x6400xi32, #tpu.memory_space<vmem>> -> memref<6400xi32, #tpu.memory_space<vmem>>
          %dma_start3A_196 = tpu.memref_slice %arg3[%select_n3A, %mul3A_186] : memref<26x51200xi32, #tpu.memory_space<hbm>> -> memref<1x6400xi32, #tpu.memory_space<hbm>>
          %dma_start3A_197 = tpu.memref_squeeze %dma_start3A_196 : memref<1x6400xi32, #tpu.memory_space<hbm>> -> memref<6400xi32, #tpu.memory_space<hbm>>
          tpu.enqueue_dma source(%dma_start3A_197 : memref<6400xi32, #tpu.memory_space<hbm>>) target(%dma_start3A_195 : memref<6400xi32, #tpu.memory_space<vmem>>) target_semaphore(%arg9 : memref<!tpu.dma_semaphore, #tpu.memory_space<semaphore_mem>>)
        } else {
        }
        %mul3A_169 = arith.constant 6400 : i32
        %mul3A_170 = arith.muli %add3A_136, %mul3A_169 : i32
        %dma_start3A_171 = arith.constant 1 : i32
        %dma_start3A_172 = arith.constant 0 : i32
        %dma_start3A_173 = tpu.memref_slice %arg7[%dma_start3A_171, %dma_start3A_172] : memref<2x6400xf32, #tpu.memory_space<vmem>> -> memref<1x6400xf32, #tpu.memory_space<vmem>>
        %dma_start3A_174 = tpu.memref_squeeze %dma_start3A_173 : memref<1x6400xf32, #tpu.memory_space<vmem>> -> memref<6400xf32, #tpu.memory_space<vmem>>
        %dma_start3A_175 = tpu.memref_slice %arg4[%add3A_11, %mul3A_170] : memref<832x51200xf32, #tpu.memory_space<hbm>> -> memref<1x6400xf32, #tpu.memory_space<hbm>>
        %dma_start3A_176 = tpu.memref_squeeze %dma_start3A_175 : memref<1x6400xf32, #tpu.memory_space<hbm>> -> memref<6400xf32, #tpu.memory_space<hbm>>
        %dma_start3A_177 = tpu.memref_slice %arg4[%add3A_11, %mul3A_170] : memref<832x51200xf32, #tpu.memory_space<hbm>> -> memref<1x6400xf32, #tpu.memory_space<hbm>>
        %dma_start3A_178 = tpu.memref_squeeze %dma_start3A_177 : memref<1x6400xf32, #tpu.memory_space<hbm>> -> memref<6400xf32, #tpu.memory_space<hbm>>
        %dma_start3A_179 = arith.constant 0 : i32
        %dma_start3A_180 = tpu.memref_slice %arg7[%dma_start3A_171, %dma_start3A_179] : memref<2x6400xf32, #tpu.memory_space<vmem>> -> memref<1x6400xf32, #tpu.memory_space<vmem>>
        %dma_start3A_181 = tpu.memref_squeeze %dma_start3A_180 : memref<1x6400xf32, #tpu.memory_space<vmem>> -> memref<6400xf32, #tpu.memory_space<vmem>>
        tpu.enqueue_dma source(%dma_start3A_181 : memref<6400xf32, #tpu.memory_space<vmem>>) target(%dma_start3A_178 : memref<6400xf32, #tpu.memory_space<hbm>>) target_semaphore(%arg11 : memref<!tpu.dma_semaphore, #tpu.memory_space<semaphore_mem>>)
        %scan3A_182 = arith.constant 0 : i32
        scf.yield %scan3A_182 : i32
      }
      %scan3A_59 = arith.constant 4 : i32
      %dma_wait3A = arith.constant 0 : i32
      %dma_wait3A_60 = arith.constant 0 : i32
      %dma_wait3A_61 = tpu.memref_slice %arg7[%dma_wait3A, %dma_wait3A_60] : memref<2x6400xf32, #tpu.memory_space<vmem>> -> memref<1x6400xf32, #tpu.memory_space<vmem>>
      %dma_wait3A_62 = tpu.memref_squeeze %dma_wait3A_61 : memref<1x6400xf32, #tpu.memory_space<vmem>> -> memref<6400xf32, #tpu.memory_space<vmem>>
      %dma_wait3A_63 = arith.constant 38400 : i32
      %dma_wait3A_64 = tpu.memref_slice %arg4[%add3A_11, %dma_wait3A_63] : memref<832x51200xf32, #tpu.memory_space<hbm>> -> memref<1x6400xf32, #tpu.memory_space<hbm>>
      %dma_wait3A_65 = tpu.memref_squeeze %dma_wait3A_64 : memref<1x6400xf32, #tpu.memory_space<hbm>> -> memref<6400xf32, #tpu.memory_space<hbm>>
      %dma_wait3A_66 = arith.constant 38400 : i32
      %dma_wait3A_67 = tpu.memref_slice %arg4[%add3A_11, %dma_wait3A_66] : memref<832x51200xf32, #tpu.memory_space<hbm>> -> memref<1x6400xf32, #tpu.memory_space<hbm>>
      %dma_wait3A_68 = tpu.memref_squeeze %dma_wait3A_67 : memref<1x6400xf32, #tpu.memory_space<hbm>> -> memref<6400xf32, #tpu.memory_space<hbm>>
      %dma_wait3A_69 = arith.constant 0 : i32
      %dma_wait3A_70 = tpu.memref_slice %arg7[%dma_wait3A, %dma_wait3A_69] : memref<2x6400xf32, #tpu.memory_space<vmem>> -> memref<1x6400xf32, #tpu.memory_space<vmem>>
      %dma_wait3A_71 = tpu.memref_squeeze %dma_wait3A_70 : memref<1x6400xf32, #tpu.memory_space<vmem>> -> memref<6400xf32, #tpu.memory_space<vmem>>
      tpu.wait_dma2 semaphore(%arg10 : memref<!tpu.dma_semaphore, #tpu.memory_space<semaphore_mem>>) src(%dma_wait3A_71 : memref<6400xf32, #tpu.memory_space<vmem>>) dst(%dma_wait3A_68 : memref<6400xf32, #tpu.memory_space<hbm>>)
      %dma_wait3A_72 = arith.constant 1 : i32
      %dma_wait3A_73 = arith.constant 0 : i32
      %dma_wait3A_74 = tpu.memref_slice %arg7[%dma_wait3A_72, %dma_wait3A_73] : memref<2x6400xf32, #tpu.memory_space<vmem>> -> memref<1x6400xf32, #tpu.memory_space<vmem>>
      %dma_wait3A_75 = tpu.memref_squeeze %dma_wait3A_74 : memref<1x6400xf32, #tpu.memory_space<vmem>> -> memref<6400xf32, #tpu.memory_space<vmem>>
      %dma_wait3A_76 = arith.constant 44800 : i32
      %dma_wait3A_77 = tpu.memref_slice %arg4[%add3A_11, %dma_wait3A_76] : memref<832x51200xf32, #tpu.memory_space<hbm>> -> memref<1x6400xf32, #tpu.memory_space<hbm>>
      %dma_wait3A_78 = tpu.memref_squeeze %dma_wait3A_77 : memref<1x6400xf32, #tpu.memory_space<hbm>> -> memref<6400xf32, #tpu.memory_space<hbm>>
      %dma_wait3A_79 = arith.constant 44800 : i32
      %dma_wait3A_80 = tpu.memref_slice %arg4[%add3A_11, %dma_wait3A_79] : memref<832x51200xf32, #tpu.memory_space<hbm>> -> memref<1x6400xf32, #tpu.memory_space<hbm>>
      %dma_wait3A_81 = tpu.memref_squeeze %dma_wait3A_80 : memref<1x6400xf32, #tpu.memory_space<hbm>> -> memref<6400xf32, #tpu.memory_space<hbm>>
      %dma_wait3A_82 = arith.constant 0 : i32
      %dma_wait3A_83 = tpu.memref_slice %arg7[%dma_wait3A_72, %dma_wait3A_82] : memref<2x6400xf32, #tpu.memory_space<vmem>> -> memref<1x6400xf32, #tpu.memory_space<vmem>>
      %dma_wait3A_84 = tpu.memref_squeeze %dma_wait3A_83 : memref<1x6400xf32, #tpu.memory_space<vmem>> -> memref<6400xf32, #tpu.memory_space<vmem>>
      tpu.wait_dma2 semaphore(%arg11 : memref<!tpu.dma_semaphore, #tpu.memory_space<semaphore_mem>>) src(%dma_wait3A_84 : memref<6400xf32, #tpu.memory_space<vmem>>) dst(%dma_wait3A_81 : memref<6400xf32, #tpu.memory_space<hbm>>)
      %scan3A_85 = arith.constant 0 : i32
      scf.yield %scan3A_85 : i32
    }
    %scan3A_6 = arith.constant 26 : i32
    return
  }
}

module attributes {stable_mosaic.version = 14 : i64} {
  func.func @_stats_body(%arg0: i32, %arg1: memref<1x1024xi32, #tpu.memory_space<vmem>>, %arg2: memref<50x13x1024xf32, #tpu.memory_space<vmem>>, %arg3: memref<1x2048xf32, #tpu.memory_space<vmem>>, %arg4: memref<832x2048xf32, #tpu.memory_space<vmem>>, %arg5: memref<13x1xf32, #tpu.memory_space<vmem>>, %arg6: memref<832x1xf32, #tpu.memory_space<vmem>>, %arg7: memref<13x1xf32, #tpu.memory_space<vmem>>, %arg8: memref<832x1xf32, #tpu.memory_space<vmem>>, %arg9: memref<13x1xf32, #tpu.memory_space<vmem>>, %arg10: memref<832x1xf32, #tpu.memory_space<vmem>>, %arg11: memref<13x1xf32, #tpu.memory_space<vmem>>, %arg12: memref<832x1xf32, #tpu.memory_space<vmem>>, %arg13: memref<13x1xf32, #tpu.memory_space<vmem>>, %arg14: memref<13x1xf32, #tpu.memory_space<vmem>>, %arg15: memref<832x1xf32, #tpu.memory_space<vmem>>, %arg16: memref<832x1xf32, #tpu.memory_space<vmem>>, %arg17: memref<1x1xf32, #tpu.memory_space<vmem>>) attributes {dimension_semantics = [#tpu.dimension_semantics<arbitrary>], iteration_bounds = array<i64: 25>, scalar_prefetch = 0 : i64, scratch_operands = 5 : i64, tpu.core_type = #tpu.core_type<tc>, window_params = [{pipeline_mode = #tpu.pipeline_mode<synchronous>, transform_indices = @transform_0, window_bounds = array<i64: 1, 1024>}, {pipeline_mode = #tpu.pipeline_mode<synchronous>, transform_indices = @transform_1, window_bounds = array<i64: 50, 13, 1024>}, {transform_indices = @transform_2, window_bounds = array<i64: 1, 2048>}, {transform_indices = @transform_3, window_bounds = array<i64: 832, 2048>}, {pipeline_mode = #tpu.pipeline_mode<synchronous>, transform_indices = @transform_4, window_bounds = array<i64: 13, 1>}, {pipeline_mode = #tpu.pipeline_mode<synchronous>, transform_indices = @transform_5, window_bounds = array<i64: 832, 1>}, {pipeline_mode = #tpu.pipeline_mode<synchronous>, transform_indices = @transform_6, window_bounds = array<i64: 13, 1>}, {pipeline_mode = #tpu.pipeline_mode<synchronous>, transform_indices = @transform_7, window_bounds = array<i64: 832, 1>}, {pipeline_mode = #tpu.pipeline_mode<synchronous>, transform_indices = @transform_8, window_bounds = array<i64: 13, 1>}, {pipeline_mode = #tpu.pipeline_mode<synchronous>, transform_indices = @transform_9, window_bounds = array<i64: 832, 1>}, {pipeline_mode = #tpu.pipeline_mode<synchronous>, transform_indices = @transform_10, window_bounds = array<i64: 13, 1>}, {pipeline_mode = #tpu.pipeline_mode<synchronous>, transform_indices = @transform_11, window_bounds = array<i64: 832, 1>}]} {
    %eq3A = arith.constant 0 : i32
    %eq3A_0 = arith.cmpi eq, %arg0, %eq3A : i32
    %convert_element_type3A = arith.extui %eq3A_0 : i1 to i32
    %cond3A = arith.constant 0 : i32
    %cond3A_1 = arith.cmpi ne, %convert_element_type3A, %cond3A : i32
    scf.if %cond3A_1 {
      %get3A_30 = arith.constant 0 : index
      %get3A_31 = arith.constant 0 : index
      %get3A_32 = vector.load %arg1[%get3A_30, %get3A_31] : memref<1x1024xi32, #tpu.memory_space<vmem>>, vector<1x1024xi32>
      %convert_element_type3A_33 = arith.sitofp %get3A_32 : vector<1x1024xi32> to vector<1x1024xf32>
      %reduce_sum3A_34 = vector.shape_cast %convert_element_type3A_33 : vector<1x1024xf32> to vector<1x1x1024xf32>
      %reduce_sum3A_35 = arith.constant dense<0.000000e+00> : vector<1xf32>
      %reduce_sum3A_36 = vector.multi_reduction <add>, %reduce_sum3A_34, %reduce_sum3A_35 [1, 2] : vector<1x1x1024xf32> to vector<1xf32>
      %reduce_sum3A_37 = vector.shape_cast %reduce_sum3A_36 : vector<1xf32> to vector<1x1x1xf32>
      %reduce_sum3A_38 = vector.extract %reduce_sum3A_37[0, 0, 0] : f32 from vector<1x1x1xf32>
      %reshape3A_39 = vector.broadcast %reduce_sum3A_38 : f32 to vector<1x1xf32>
      %swap3A_40 = arith.constant 0 : index
      %swap3A_41 = arith.constant 0 : index
      %swap3A_42 = vector.load %arg17[%swap3A_40, %swap3A_41] : memref<1x1xf32, #tpu.memory_space<vmem>>, vector<1x1xf32>
      tpu.vector_store %arg17[%swap3A_40, %swap3A_41], %reshape3A_39 {strides = array<i32>} : memref<1x1xf32, #tpu.memory_space<vmem>>, vector<1x1xf32>,
      %iota3A = tpu.iota {dimensions = array<i32: 0>} : vector<50x1x1024xi32>
      %reshape3A_43 = vector.shape_cast %get3A_32 : vector<1x1024xi32> to vector<1x1x1024xi32>
      %lt3A = vector.broadcast %reshape3A_43 : vector<1x1x1024xi32> to vector<50x1x1024xi32>
      %lt3A_44 = arith.cmpi slt, %iota3A, %lt3A : vector<50x1x1024xi32>
      %convert_element_type3A_45 = arith.extui %lt3A_44 : vector<50x1x1024xi1> to vector<50x1x1024xi32>
      %convert_element_type3A_46 = arith.sitofp %convert_element_type3A_45 : vector<50x1x1024xi32> to vector<50x1x1024xf32>
      %get3A_47 = arith.constant 0 : index
      %get3A_48 = arith.constant 0 : index
      %get3A_49 = arith.constant 0 : index
      %get3A_50 = vector.load %arg2[%get3A_47, %get3A_48, %get3A_49] : memref<50x13x1024xf32, #tpu.memory_space<vmem>>, vector<50x13x1024xf32>
      %mul3A_51 = vector.broadcast %convert_element_type3A_46 : vector<50x1x1024xf32> to vector<50x13x1024xf32>
      %mul3A_52 = arith.mulf %get3A_50, %mul3A_51 : vector<50x13x1024xf32>
      %reduce_sum3A_53 = arith.constant dense<0.000000e+00> : vector<13xf32>
      %reduce_sum3A_54 = vector.multi_reduction <add>, %mul3A_52, %reduce_sum3A_53 [0, 2] : vector<50x13x1024xf32> to vector<13xf32>
      %reshape3A_55 = vector.shape_cast %reduce_sum3A_54 : vector<13xf32> to vector<13x1xf32>
      %swap3A_56 = arith.constant 0 : index
      %swap3A_57 = arith.constant 0 : index
      %swap3A_58 = vector.load %arg13[%swap3A_56, %swap3A_57] : memref<13x1xf32, #tpu.memory_space<vmem>>, vector<13x1xf32>
      tpu.vector_store %arg13[%swap3A_56, %swap3A_57], %reshape3A_55 {strides = array<i32>} : memref<13x1xf32, #tpu.memory_space<vmem>>, vector<13x1xf32>,
      %mul3A_59 = arith.mulf %mul3A_52, %get3A_50 : vector<50x13x1024xf32>
      %reduce_sum3A_60 = arith.constant dense<0.000000e+00> : vector<13xf32>
      %reduce_sum3A_61 = vector.multi_reduction <add>, %mul3A_59, %reduce_sum3A_60 [0, 2] : vector<50x13x1024xf32> to vector<13xf32>
      %reshape3A_62 = vector.shape_cast %reduce_sum3A_61 : vector<13xf32> to vector<13x1xf32>
      %swap3A_63 = arith.constant 0 : index
      %swap3A_64 = arith.constant 0 : index
      %swap3A_65 = vector.load %arg14[%swap3A_63, %swap3A_64] : memref<13x1xf32, #tpu.memory_space<vmem>>, vector<13x1xf32>
      tpu.vector_store %arg14[%swap3A_63, %swap3A_64], %reshape3A_62 {strides = array<i32>} : memref<13x1xf32, #tpu.memory_space<vmem>>, vector<13x1xf32>,
      %broadcast_in_dim3A = arith.constant 0.000000e+00 : f32
      %broadcast_in_dim3A_66 = vector.broadcast %broadcast_in_dim3A : f32 to vector<832x1xf32>
      %swap3A_67 = arith.constant 0 : index
      %swap3A_68 = arith.constant 0 : index
      %swap3A_69 = vector.load %arg15[%swap3A_67, %swap3A_68] : memref<832x1xf32, #tpu.memory_space<vmem>>, vector<832x1xf32>
      tpu.vector_store %arg15[%swap3A_67, %swap3A_68], %broadcast_in_dim3A_66 {strides = array<i32>} : memref<832x1xf32, #tpu.memory_space<vmem>>, vector<832x1xf32>,
      %broadcast_in_dim3A_70 = arith.constant 0.000000e+00 : f32
      %broadcast_in_dim3A_71 = vector.broadcast %broadcast_in_dim3A_70 : f32 to vector<832x1xf32>
      %swap3A_72 = arith.constant 0 : index
      %swap3A_73 = arith.constant 0 : index
      %swap3A_74 = vector.load %arg16[%swap3A_72, %swap3A_73] : memref<832x1xf32, #tpu.memory_space<vmem>>, vector<832x1xf32>
      tpu.vector_store %arg16[%swap3A_72, %swap3A_73], %broadcast_in_dim3A_71 {strides = array<i32>} : memref<832x1xf32, #tpu.memory_space<vmem>>, vector<832x1xf32>,
    } else {
    }
    %get3A = arith.constant 0 : index
    %get3A_2 = arith.constant 0 : index
    %get3A_3 = vector.load %arg4[%get3A, %get3A_2] : memref<832x2048xf32, #tpu.memory_space<vmem>>, vector<832x2048xf32>
    %get3A_4 = arith.constant 0 : index
    %get3A_5 = arith.constant 0 : index
    %get3A_6 = vector.load %arg3[%get3A_4, %get3A_5] : memref<1x2048xf32, #tpu.memory_space<vmem>>, vector<1x2048xf32>
    %mul3A = vector.broadcast %get3A_6 : vector<1x2048xf32> to vector<832x2048xf32>
    %mul3A_7 = arith.mulf %get3A_3, %mul3A : vector<832x2048xf32>
    %get3A_8 = arith.constant 0 : index
    %get3A_9 = arith.constant 0 : index
    %get3A_10 = vector.load %arg15[%get3A_8, %get3A_9] : memref<832x1xf32, #tpu.memory_space<vmem>>, vector<832x1xf32>
    %reduce_sum3A = arith.constant dense<0.000000e+00> : vector<832xf32>
    %reduce_sum3A_11 = vector.multi_reduction <add>, %mul3A_7, %reduce_sum3A [1] : vector<832x2048xf32> to vector<832xf32>
    %reshape3A = vector.shape_cast %reduce_sum3A_11 : vector<832xf32> to vector<832x1xf32>
    %add3A = arith.addf %get3A_10, %reshape3A : vector<832x1xf32>
    %swap3A = arith.constant 0 : index
    %swap3A_12 = arith.constant 0 : index
    %swap3A_13 = vector.load %arg15[%swap3A, %swap3A_12] : memref<832x1xf32, #tpu.memory_space<vmem>>, vector<832x1xf32>
    tpu.vector_store %arg15[%swap3A, %swap3A_12], %add3A {strides = array<i32>} : memref<832x1xf32, #tpu.memory_space<vmem>>, vector<832x1xf32>,
    %get3A_14 = arith.constant 0 : index
    %get3A_15 = arith.constant 0 : index
    %get3A_16 = vector.load %arg16[%get3A_14, %get3A_15] : memref<832x1xf32, #tpu.memory_space<vmem>>, vector<832x1xf32>
    %mul3A_17 = arith.mulf %mul3A_7, %get3A_3 : vector<832x2048xf32>
    %reduce_sum3A_18 = arith.constant dense<0.000000e+00> : vector<832xf32>
    %reduce_sum3A_19 = vector.multi_reduction <add>, %mul3A_17, %reduce_sum3A_18 [1] : vector<832x2048xf32> to vector<832xf32>
    %reshape3A_20 = vector.shape_cast %reduce_sum3A_19 : vector<832xf32> to vector<832x1xf32>
    %add3A_21 = arith.addf %get3A_16, %reshape3A_20 : vector<832x1xf32>
    %swap3A_22 = arith.constant 0 : index
    %swap3A_23 = arith.constant 0 : index
    %swap3A_24 = vector.load %arg16[%swap3A_22, %swap3A_23] : memref<832x1xf32, #tpu.memory_space<vmem>>, vector<832x1xf32>
    tpu.vector_store %arg16[%swap3A_22, %swap3A_23], %add3A_21 {strides = array<i32>} : memref<832x1xf32, #tpu.memory_space<vmem>>, vector<832x1xf32>,
    %eq3A_25 = arith.constant 24 : i32
    %eq3A_26 = arith.cmpi eq, %arg0, %eq3A_25 : i32
    %convert_element_type3A_27 = arith.extui %eq3A_26 : i1 to i32
    %cond3A_28 = arith.constant 0 : i32
    %cond3A_29 = arith.cmpi ne, %convert_element_type3A_27, %cond3A_28 : i32
    scf.if %cond3A_29 {
      %get3A_30 = arith.constant 0 : index
      %get3A_31 = arith.constant 0 : index
      %get3A_32 = vector.load %arg17[%get3A_30, %get3A_31] : memref<1x1xf32, #tpu.memory_space<vmem>>, vector<1x1xf32>
      %get3A_33 = vector.extract %get3A_32[0, 0] : f32 from vector<1x1xf32>
      %div3A = arith.constant 1.000000e+00 : f32
      %div3A_34 = arith.divf %div3A, %get3A_33 : f32
      %get3A_35 = arith.constant 0 : index
      %get3A_36 = arith.constant 0 : index
      %get3A_37 = vector.load %arg13[%get3A_35, %get3A_36] : memref<13x1xf32, #tpu.memory_space<vmem>>, vector<13x1xf32>
      %mul3A_38 = vector.broadcast %div3A_34 : f32 to vector<13x1xf32>
      %mul3A_39 = arith.mulf %get3A_37, %mul3A_38 : vector<13x1xf32>
      %get3A_40 = arith.constant 0 : index
      %get3A_41 = arith.constant 0 : index
      %get3A_42 = vector.load %arg14[%get3A_40, %get3A_41] : memref<13x1xf32, #tpu.memory_space<vmem>>, vector<13x1xf32>
      %mul3A_43 = vector.broadcast %div3A_34 : f32 to vector<13x1xf32>
      %mul3A_44 = arith.mulf %get3A_42, %mul3A_43 : vector<13x1xf32>
      %mul3A_45 = arith.mulf %mul3A_39, %mul3A_39 : vector<13x1xf32>
      %sub3A = arith.subf %mul3A_44, %mul3A_45 : vector<13x1xf32>
      %max3A = arith.constant 0.000000e+00 : f32
      %max3A_46 = vector.broadcast %max3A : f32 to vector<13x1xf32>
      %max3A_47 = arith.maximumf %sub3A, %max3A_46 : vector<13x1xf32>
      %get3A_48 = arith.constant 0 : index
      %get3A_49 = arith.constant 0 : index
      %get3A_50 = vector.load %arg5[%get3A_48, %get3A_49] : memref<13x1xf32, #tpu.memory_space<vmem>>, vector<13x1xf32>
      %add3A_51 = arith.constant 9.99999974E-6 : f32
      %add3A_52 = vector.broadcast %add3A_51 : f32 to vector<13x1xf32>
      %add3A_53 = arith.addf %max3A_47, %add3A_52 : vector<13x1xf32>
      %rsqrt3A = math.rsqrt %add3A_53 : vector<13x1xf32>
      %mul3A_54 = arith.mulf %get3A_50, %rsqrt3A : vector<13x1xf32>
      %swap3A_55 = arith.constant 0 : index
      %swap3A_56 = arith.constant 0 : index
      %swap3A_57 = vector.load %arg9[%swap3A_55, %swap3A_56] : memref<13x1xf32, #tpu.memory_space<vmem>>, vector<13x1xf32>
      tpu.vector_store %arg9[%swap3A_55, %swap3A_56], %mul3A_54 {strides = array<i32>} : memref<13x1xf32, #tpu.memory_space<vmem>>, vector<13x1xf32>,
      %get3A_58 = arith.constant 0 : index
      %get3A_59 = arith.constant 0 : index
      %get3A_60 = vector.load %arg7[%get3A_58, %get3A_59] : memref<13x1xf32, #tpu.memory_space<vmem>>, vector<13x1xf32>
      %mul3A_61 = arith.mulf %mul3A_39, %mul3A_54 : vector<13x1xf32>
      %sub3A_62 = arith.subf %get3A_60, %mul3A_61 : vector<13x1xf32>
      %swap3A_63 = arith.constant 0 : index
      %swap3A_64 = arith.constant 0 : index
      %swap3A_65 = vector.load %arg11[%swap3A_63, %swap3A_64] : memref<13x1xf32, #tpu.memory_space<vmem>>, vector<13x1xf32>
      tpu.vector_store %arg11[%swap3A_63, %swap3A_64], %sub3A_62 {strides = array<i32>} : memref<13x1xf32, #tpu.memory_space<vmem>>, vector<13x1xf32>,
      %get3A_66 = arith.constant 0 : index
      %get3A_67 = arith.constant 0 : index
      %get3A_68 = vector.load %arg15[%get3A_66, %get3A_67] : memref<832x1xf32, #tpu.memory_space<vmem>>, vector<832x1xf32>
      %mul3A_69 = vector.broadcast %div3A_34 : f32 to vector<832x1xf32>
      %mul3A_70 = arith.mulf %get3A_68, %mul3A_69 : vector<832x1xf32>
      %get3A_71 = arith.constant 0 : index
      %get3A_72 = arith.constant 0 : index
      %get3A_73 = vector.load %arg16[%get3A_71, %get3A_72] : memref<832x1xf32, #tpu.memory_space<vmem>>, vector<832x1xf32>
      %mul3A_74 = vector.broadcast %div3A_34 : f32 to vector<832x1xf32>
      %mul3A_75 = arith.mulf %get3A_73, %mul3A_74 : vector<832x1xf32>
      %mul3A_76 = arith.mulf %mul3A_70, %mul3A_70 : vector<832x1xf32>
      %sub3A_77 = arith.subf %mul3A_75, %mul3A_76 : vector<832x1xf32>
      %max3A_78 = arith.constant 0.000000e+00 : f32
      %max3A_79 = vector.broadcast %max3A_78 : f32 to vector<832x1xf32>
      %max3A_80 = arith.maximumf %sub3A_77, %max3A_79 : vector<832x1xf32>
      %get3A_81 = arith.constant 0 : index
      %get3A_82 = arith.constant 0 : index
      %get3A_83 = vector.load %arg6[%get3A_81, %get3A_82] : memref<832x1xf32, #tpu.memory_space<vmem>>, vector<832x1xf32>
      %add3A_84 = arith.constant 9.99999974E-6 : f32
      %add3A_85 = vector.broadcast %add3A_84 : f32 to vector<832x1xf32>
      %add3A_86 = arith.addf %max3A_80, %add3A_85 : vector<832x1xf32>
      %rsqrt3A_87 = math.rsqrt %add3A_86 : vector<832x1xf32>
      %mul3A_88 = arith.mulf %get3A_83, %rsqrt3A_87 : vector<832x1xf32>
      %swap3A_89 = arith.constant 0 : index
      %swap3A_90 = arith.constant 0 : index
      %swap3A_91 = vector.load %arg10[%swap3A_89, %swap3A_90] : memref<832x1xf32, #tpu.memory_space<vmem>>, vector<832x1xf32>
      tpu.vector_store %arg10[%swap3A_89, %swap3A_90], %mul3A_88 {strides = array<i32>} : memref<832x1xf32, #tpu.memory_space<vmem>>, vector<832x1xf32>,
      %get3A_92 = arith.constant 0 : index
      %get3A_93 = arith.constant 0 : index
      %get3A_94 = vector.load %arg8[%get3A_92, %get3A_93] : memref<832x1xf32, #tpu.memory_space<vmem>>, vector<832x1xf32>
      %mul3A_95 = arith.mulf %mul3A_70, %mul3A_88 : vector<832x1xf32>
      %sub3A_96 = arith.subf %get3A_94, %mul3A_95 : vector<832x1xf32>
      %swap3A_97 = arith.constant 0 : index
      %swap3A_98 = arith.constant 0 : index
      %swap3A_99 = vector.load %arg12[%swap3A_97, %swap3A_98] : memref<832x1xf32, #tpu.memory_space<vmem>>, vector<832x1xf32>
      tpu.vector_store %arg12[%swap3A_97, %swap3A_98], %sub3A_96 {strides = array<i32>} : memref<832x1xf32, #tpu.memory_space<vmem>>, vector<832x1xf32>,
    } else {
    }
    return
  }
  func.func @transform_0(%arg0: i32) -> (i32, i32) {
    %c0_i32 = arith.constant 0 : i32
    %c0_i32_0 = arith.constant 0 : i32
    %c0_i32_1 = arith.constant 0 : i32
    return %c0_i32, %c0_i32_0 : i32, i32
  }
  func.func @transform_1(%arg0: i32) -> (i32, i32, i32) {
    %c0_i32 = arith.constant 0 : i32
    %c0_i32_0 = arith.constant 0 : i32
    %c0_i32_1 = arith.constant 0 : i32
    %c0_i32_2 = arith.constant 0 : i32
    return %c0_i32, %c0_i32_0, %c0_i32_1 : i32, i32, i32
  }
  func.func @transform_2(%arg0: i32) -> (i32, i32) {
    %c0_i32 = arith.constant 0 : i32
    %c0_i32_0 = arith.constant 0 : i32
    return %c0_i32, %arg0 : i32, i32
  }
  func.func @transform_3(%arg0: i32) -> (i32, i32) {
    %c0_i32 = arith.constant 0 : i32
    %c0_i32_0 = arith.constant 0 : i32
    return %c0_i32, %arg0 : i32, i32
  }
  func.func @transform_4(%arg0: i32) -> (i32, i32) {
    %c0_i32 = arith.constant 0 : i32
    %c0_i32_0 = arith.constant 0 : i32
    %c0_i32_1 = arith.constant 0 : i32
    return %c0_i32, %c0_i32_0 : i32, i32
  }
  func.func @transform_5(%arg0: i32) -> (i32, i32) {
    %c0_i32 = arith.constant 0 : i32
    %c0_i32_0 = arith.constant 0 : i32
    %c0_i32_1 = arith.constant 0 : i32
    return %c0_i32, %c0_i32_0 : i32, i32
  }
  func.func @transform_6(%arg0: i32) -> (i32, i32) {
    %c0_i32 = arith.constant 0 : i32
    %c0_i32_0 = arith.constant 0 : i32
    %c0_i32_1 = arith.constant 0 : i32
    return %c0_i32, %c0_i32_0 : i32, i32
  }
  func.func @transform_7(%arg0: i32) -> (i32, i32) {
    %c0_i32 = arith.constant 0 : i32
    %c0_i32_0 = arith.constant 0 : i32
    %c0_i32_1 = arith.constant 0 : i32
    return %c0_i32, %c0_i32_0 : i32, i32
  }
  func.func @transform_8(%arg0: i32) -> (i32, i32) {
    %c0_i32 = arith.constant 0 : i32
    %c0_i32_0 = arith.constant 0 : i32
    %c0_i32_1 = arith.constant 0 : i32
    return %c0_i32, %c0_i32_0 : i32, i32
  }
  func.func @transform_9(%arg0: i32) -> (i32, i32) {
    %c0_i32 = arith.constant 0 : i32
    %c0_i32_0 = arith.constant 0 : i32
    %c0_i32_1 = arith.constant 0 : i32
    return %c0_i32, %c0_i32_0 : i32, i32
  }
  func.func @transform_10(%arg0: i32) -> (i32, i32) {
    %c0_i32 = arith.constant 0 : i32
    %c0_i32_0 = arith.constant 0 : i32
    %c0_i32_1 = arith.constant 0 : i32
    return %c0_i32, %c0_i32_0 : i32, i32
  }
  func.func @transform_11(%arg0: i32) -> (i32, i32) {
    %c0_i32 = arith.constant 0 : i32
    %c0_i32_0 = arith.constant 0 : i32
    %c0_i32_1 = arith.constant 0 : i32
    return %c0_i32, %c0_i32_0 : i32, i32
  }
}

module attributes {stable_mosaic.version = 14 : i64} {
  func.func @_norm_body(%arg0: i32, %arg1: memref<1x1024xi32, #tpu.memory_space<vmem>>, %arg2: memref<1x13x1024xf32, #tpu.memory_space<vmem>>, %arg3: memref<832x1024xf32, #tpu.memory_space<vmem>>, %arg4: memref<13x1xf32, #tpu.memory_space<vmem>>, %arg5: memref<832x1xf32, #tpu.memory_space<vmem>>, %arg6: memref<13x1xf32, #tpu.memory_space<vmem>>, %arg7: memref<832x1xf32, #tpu.memory_space<vmem>>, %arg8: memref<1x845x1024xf32, #tpu.memory_space<vmem>>) attributes {dimension_semantics = [#tpu.dimension_semantics<arbitrary>], iteration_bounds = array<i64: 50>, scalar_prefetch = 0 : i64, scratch_operands = 0 : i64, tpu.core_type = #tpu.core_type<tc>, window_params = [{pipeline_mode = #tpu.pipeline_mode<synchronous>, transform_indices = @transform_0, window_bounds = array<i64: 1, 1024>}, {transform_indices = @transform_1, window_bounds = array<i64: 1, 13, 1024>}, {transform_indices = @transform_2, window_bounds = array<i64: 832, 1024>}, {pipeline_mode = #tpu.pipeline_mode<synchronous>, transform_indices = @transform_3, window_bounds = array<i64: 13, 1>}, {pipeline_mode = #tpu.pipeline_mode<synchronous>, transform_indices = @transform_4, window_bounds = array<i64: 832, 1>}, {pipeline_mode = #tpu.pipeline_mode<synchronous>, transform_indices = @transform_5, window_bounds = array<i64: 13, 1>}, {pipeline_mode = #tpu.pipeline_mode<synchronous>, transform_indices = @transform_6, window_bounds = array<i64: 832, 1>}, {transform_indices = @transform_7, window_bounds = array<i64: 1, 845, 1024>}]} {
    %get3A = arith.constant 0 : index
    %get3A_0 = arith.constant 0 : index
    %get3A_1 = vector.load %arg1[%get3A, %get3A_0] : memref<1x1024xi32, #tpu.memory_space<vmem>>, vector<1x1024xi32>
    %get3A_2 = arith.constant 0 : index
    %get3A_3 = arith.constant 0 : index
    %get3A_4 = vector.load %arg4[%get3A_2, %get3A_3] : memref<13x1xf32, #tpu.memory_space<vmem>>, vector<13x1xf32>
    %get3A_5 = arith.constant 0 : index
    %get3A_6 = arith.constant 0 : index
    %get3A_7 = vector.load %arg6[%get3A_5, %get3A_6] : memref<13x1xf32, #tpu.memory_space<vmem>>, vector<13x1xf32>
    %get3A_8 = arith.constant 0 : index
    %get3A_9 = arith.constant 0 : index
    %get3A_10 = vector.load %arg5[%get3A_8, %get3A_9] : memref<832x1xf32, #tpu.memory_space<vmem>>, vector<832x1xf32>
    %get3A_11 = arith.constant 0 : index
    %get3A_12 = arith.constant 0 : index
    %get3A_13 = vector.load %arg7[%get3A_11, %get3A_12] : memref<832x1xf32, #tpu.memory_space<vmem>>, vector<832x1xf32>
    %mul3A = arith.constant 1 : i32
    %mul3A_14 = arith.muli %arg0, %mul3A : i32
    %add3A = arith.constant 0 : i32
    %add3A_15 = arith.addi %mul3A_14, %add3A : i32
    %lt3A = vector.broadcast %add3A_15 : i32 to vector<1x1024xi32>
    %lt3A_16 = arith.cmpi slt, %lt3A, %get3A_1 : vector<1x1024xi32>
    %convert_element_type3A = arith.extui %lt3A_16 : vector<1x1024xi1> to vector<1x1024xi32>
    %convert_element_type3A_17 = arith.sitofp %convert_element_type3A : vector<1x1024xi32> to vector<1x1024xf32>
    %get3A_18 = arith.constant 0 : index
    %get3A_19 = arith.constant 0 : index
    %get3A_20 = vector.load %arg3[%get3A_18, %get3A_19] : memref<832x1024xf32, #tpu.memory_space<vmem>>, vector<832x1024xf32>
    %mul3A_21 = vector.broadcast %get3A_10 : vector<832x1xf32> to vector<832x1024xf32>
    %mul3A_22 = arith.mulf %get3A_20, %mul3A_21 : vector<832x1024xf32>
    %add3A_23 = vector.broadcast %get3A_13 : vector<832x1xf32> to vector<832x1024xf32>
    %add3A_24 = arith.addf %mul3A_22, %add3A_23 : vector<832x1024xf32>
    %mul3A_25 = vector.broadcast %convert_element_type3A_17 : vector<1x1024xf32> to vector<832x1024xf32>
    %mul3A_26 = arith.mulf %add3A_24, %mul3A_25 : vector<832x1024xf32>
    %swap3A = arith.constant 0 : index
    %swap3A_27 = arith.constant 13 : index
    %swap3A_28 = arith.constant 0 : index
    %swap3A_29 = vector.load %arg8[%swap3A, %swap3A_27, %swap3A_28] : memref<1x845x1024xf32, #tpu.memory_space<vmem>>, vector<1x832x1024xf32>
    %swap3A_30 = vector.shape_cast %swap3A_29 : vector<1x832x1024xf32> to vector<832x1024xf32>
    %swap3A_31 = vector.shape_cast %mul3A_26 : vector<832x1024xf32> to vector<1x832x1024xf32>
    tpu.vector_store %arg8[%swap3A, %swap3A_27, %swap3A_28], %swap3A_31 {strides = array<i32>} : memref<1x845x1024xf32, #tpu.memory_space<vmem>>, vector<1x832x1024xf32>,
    %get3A_32 = arith.constant 0 : index
    %get3A_33 = arith.constant 0 : index
    %get3A_34 = arith.constant 0 : index
    %get3A_35 = vector.load %arg2[%get3A_32, %get3A_33, %get3A_34] : memref<1x13x1024xf32, #tpu.memory_space<vmem>>, vector<1x13x1024xf32>
    %get3A_36 = vector.shape_cast %get3A_35 : vector<1x13x1024xf32> to vector<13x1024xf32>
    %mul3A_37 = vector.broadcast %get3A_4 : vector<13x1xf32> to vector<13x1024xf32>
    %mul3A_38 = arith.mulf %get3A_36, %mul3A_37 : vector<13x1024xf32>
    %add3A_39 = vector.broadcast %get3A_7 : vector<13x1xf32> to vector<13x1024xf32>
    %add3A_40 = arith.addf %mul3A_38, %add3A_39 : vector<13x1024xf32>
    %mul3A_41 = vector.broadcast %convert_element_type3A_17 : vector<1x1024xf32> to vector<13x1024xf32>
    %mul3A_42 = arith.mulf %add3A_40, %mul3A_41 : vector<13x1024xf32>
    %swap3A_43 = arith.constant 0 : index
    %swap3A_44 = arith.constant 0 : index
    %swap3A_45 = arith.constant 0 : index
    %swap3A_46 = vector.load %arg8[%swap3A_43, %swap3A_44, %swap3A_45] : memref<1x845x1024xf32, #tpu.memory_space<vmem>>, vector<1x13x1024xf32>
    %swap3A_47 = vector.shape_cast %swap3A_46 : vector<1x13x1024xf32> to vector<13x1024xf32>
    %swap3A_48 = vector.shape_cast %mul3A_42 : vector<13x1024xf32> to vector<1x13x1024xf32>
    tpu.vector_store %arg8[%swap3A_43, %swap3A_44, %swap3A_45], %swap3A_48 {strides = array<i32>} : memref<1x845x1024xf32, #tpu.memory_space<vmem>>, vector<1x13x1024xf32>,
    return
  }
  func.func @transform_0(%arg0: i32) -> (i32, i32) {
    %c0_i32 = arith.constant 0 : i32
    %c0_i32_0 = arith.constant 0 : i32
    %c0_i32_1 = arith.constant 0 : i32
    return %c0_i32, %c0_i32_0 : i32, i32
  }
  func.func @transform_1(%arg0: i32) -> (i32, i32, i32) {
    %c0_i32 = arith.constant 0 : i32
    %c0_i32_0 = arith.constant 0 : i32
    %c0_i32_1 = arith.constant 0 : i32
    return %arg0, %c0_i32, %c0_i32_0 : i32, i32, i32
  }
  func.func @transform_2(%arg0: i32) -> (i32, i32) {
    %c0_i32 = arith.constant 0 : i32
    %c0_i32_0 = arith.constant 0 : i32
    return %c0_i32, %arg0 : i32, i32
  }
  func.func @transform_3(%arg0: i32) -> (i32, i32) {
    %c0_i32 = arith.constant 0 : i32
    %c0_i32_0 = arith.constant 0 : i32
    %c0_i32_1 = arith.constant 0 : i32
    return %c0_i32, %c0_i32_0 : i32, i32
  }
  func.func @transform_4(%arg0: i32) -> (i32, i32) {
    %c0_i32 = arith.constant 0 : i32
    %c0_i32_0 = arith.constant 0 : i32
    %c0_i32_1 = arith.constant 0 : i32
    return %c0_i32, %c0_i32_0 : i32, i32
  }
  func.func @transform_5(%arg0: i32) -> (i32, i32) {
    %c0_i32 = arith.constant 0 : i32
    %c0_i32_0 = arith.constant 0 : i32
    %c0_i32_1 = arith.constant 0 : i32
    return %c0_i32, %c0_i32_0 : i32, i32
  }
  func.func @transform_6(%arg0: i32) -> (i32, i32) {
    %c0_i32 = arith.constant 0 : i32
    %c0_i32_0 = arith.constant 0 : i32
    %c0_i32_1 = arith.constant 0 : i32
    return %c0_i32, %c0_i32_0 : i32, i32
  }
  func.func @transform_7(%arg0: i32) -> (i32, i32, i32) {
    %c0_i32 = arith.constant 0 : i32
    %c0_i32_0 = arith.constant 0 : i32
    %c0_i32_1 = arith.constant 0 : i32
    return %arg0, %c0_i32, %c0_i32_0 : i32, i32, i32
  }
}

</mosaic_0001>

<sc_bundles>
// kernel: kernel.5.cloned.1.call-start
scs
__scs_entry_jumppad:
0x0: {  	(pc) =	sbr.rel $0x88, $3  }
0x1: {  	(tag) =	ssettag $0x0;
	lr =	simm.s32 $0x1  }
0x2: {  	[smem:$0x3F9B] =	sst lr;
	_ =	strace $0xD0000000  }
0x3: {  	_ = 	snop  }
0x4: {  	_ = 	snop  }
0x5: {  	_ = 	snop  }
0x6: {  	_ = 	snop  }
0x7: {  	_ = 	snop  }
__scs_overlays_trampoline_lowered:
0x8: {  	[smem:$0x3FAA] =	sst s0  }
0x9: {  	[smem:$0x3FAB] =	sst s1  }
0xa: {  	[smem:$0x3FAC] =	sst s2  }
0xb: {  	[smem:$0x3FAD] =	sst s3  }
0xc: {  	[smem:$0x3FAE] =	sst s4  }
0xd: {  	[smem:$0x3FAF] =	sst s5  }
0xe: {  	[smem:$0x3FB0] =	sst s6  }
0xf: {  	[smem:$0x3FB1] =	sst s7  }
0x10: {  	[smem:$0x3FB2] =	sst s8  }
0x11: {  	[smem:$0x3FB3] =	sst s9;
	s0 =	simm.s32 @!p0 $0x0  }
0x12: {  	s1 =	sld [smem:$0x3F99];
	s0 =	simm.s32 @p0 $0x1  }
0x13: {  	[smem:$0x3FB4] =	sst s0;
	s0 =	simm.s32 @!p1 $0x0  }
0x14: {  	s2 =	sld [smem:$0x3F98];
	s0 =	simm.s32 @p1 $0x1  }
0x15: {  	[smem:$0x3FB5] =	sst s0;
	s0 =	simm.s32 @!p2 $0x0  }
0x16: {  	s3 =	sld [smem:$0x3FDB];
	s0 =	simm.s32 @p2 $0x1  }
0x17: {  	s4 =	simm.s32 $0x1BF5;
	[smem:$0x3FB7] =	sst s0  }
0x18: {  	s0 =	sld [smem:$0x3F9A];
	_ =	swait.ge [sflag:s4], $0x0  }
0x19: {  	s7 =	sld [smem:$0x3F9B]  }
0x1a: {  	s8 =	sadd.s32 $0xFFFFE003, lr  }
0x1b: {  	s9 =	sadd.s32 $0xFFFFFEF7, lr;
	s5 =	simm.s32 $0xFFFFFFFF;
	p2 =	slt.u32 s8, $0xFFFFF086  }
0x1c: {  	p1 =	slt.u32 s9, $0xF7A;
	s5 =	simm.s32 @!p2 $0x0  }
0x1d: {  	s5 =	simm.s32 @p1 $0x1;
	p0 =	seq.s32 s7, s2  }
0x1e: {  	s7 =	smul.u32 @!p0 $0xF7A, s2;
	p2 =	seq.s32 @!p0 s5, $0x0  }
0x1f: {  	s9 =	smul.u32 $0xF7A, s1;
	s8 =	simm.s32 @!p0 $0x1BF5;
	p2 =	por !p2, p0  }
0x20: {  	[sflag:s8] =	ssyncset.s32 @!p0 $0xFFFFF086;
	s6 =	sadd.s32 @!p0 s3, s7;
	s7 =	simm.s32 @!p0 $0x108  }
0x21: {  	s3 =	sadd.s32 s3, s9;
	s6 =	sadd.s32 @!p0 $0x88, s6;
	s7 =	simm.s32 @p2 $0x1082  }
0x22: {  	[simem:s7], [sflag:s8] =	dma.local @!p0 [hbm:s6], $0xF7A  }
0x23: {  	s9 =	sor.u32 $0xD0000000, s2;
	s6 =	simm.s32 $0x108;
	_ =	swait.ge @!p0 [sflag:s8], $0x0  }
0x24: {  	s3 =	sadd.s32 $0x88, s3;
	s6 =	simm.s32 @!p1 $0x1082;
	[sflag:s4] =	ssyncset.s32 $0xFFFFF086  }
0x25: {  	[simem:s6], [sflag:s4] =	dma.local [hbm:s3], $0xF7A  }
0x26: {  	[smem:$0x3F9B] =	sst s1;
	(tag) =	ssettag s2;
	_ =	strace s9  }
0x27: {  	s1 =	sld [smem:$0x3FAB]  }
0x28: {  	s2 =	sld [smem:$0x3FAC]  }
0x29: {  	s4 =	sld [smem:$0x3FAE]  }
0x2a: {  	p0 =	seq.s32 s5, $0x0;
	s5 =	sld [smem:$0x3FAF]  }
0x2b: {  	s6 =	sld [smem:$0x3FB0]  }
0x2c: {  	s7 =	sld [smem:$0x3FB1]  }
0x2d: {  	s3 =	simm.s32 $0x108;
	s8 =	sld [smem:$0x3FB2]  }
0x2e: {  	s3 =	simm.s32 @!p0 $0x1082;
	s9 =	sld [smem:$0x3FB3]  }
0x2f: {  	lr =	sadd.s32 s0, s3;
	s0 =	sld [smem:$0x3FAA]  }
0x30: {  	s3 =	sld [smem:$0x3FAD]  }
0x31: {  	[smem:$0x3FB6] =	sst s10  }
0x32: {  	s10 =	sld [smem:$0x3FB4];
	_ =	sdelay $0x3  }
0x33: {  	p0 =	seq.s32 s10, $0x1;
	s10 =	sld [smem:$0x3FB6];
	_ =	sdelay $0x3  }
0x34: {  	[smem:$0x3FB6] =	sst s10  }
0x35: {  	s10 =	sld [smem:$0x3FB5];
	_ =	sdelay $0x3  }
0x36: {  	p1 =	seq.s32 s10, $0x1;
	s10 =	sld [smem:$0x3FB6];
	_ =	sdelay $0x3  }
0x37: {  	[smem:$0x3FB6] =	sst s10  }
0x38: {  	s10 =	sld [smem:$0x3FB7]  }
0x39: {  	_ = 	snop;
	(pc) =	sbr.ind lr, $3  }
0x3a: {  	_ = 	snop  }
0x3b: {  	_ = 	snop  }
0x3c: {  	p2 =	seq.s32 s10, $0x1;
	s10 =	sld [smem:$0x3FB6]  }
0x3d: {  	_ =	shalt  }
0x3e: {  	_ =	shalt  }
0x3f: {  	_ =	shalt  }
0x40: {  	_ =	shalt  }
0x41: {  	_ =	shalt  }
0x42: {  	_ =	shalt  }
0x43: {  	_ =	shalt  }
0x44: {  	_ =	shalt  }
0x45: {  	_ =	shalt  }
0x46: {  	_ =	shalt  }
0x47: {  	_ =	shalt  }
0x48: {  	_ =	shalt  }
0x49: {  	_ =	shalt  }
0x4a: {  	_ =	shalt  }
0x4b: {  	_ =	shalt  }
0x4c: {  	_ =	shalt  }
0x4d: {  	_ =	shalt  }
0x4e: {  	_ =	shalt  }
0x4f: {  	_ =	shalt  }
0x50: {  	_ =	shalt  }
0x51: {  	_ =	shalt  }
0x52: {  	_ =	shalt  }
0x53: {  	_ =	shalt  }
0x54: {  	_ =	shalt  }
0x55: {  	_ =	shalt  }
0x56: {  	_ =	shalt  }
0x57: {  	_ =	shalt  }
0x58: {  	_ =	shalt  }
0x59: {  	_ =	shalt  }
0x5a: {  	_ =	shalt  }
0x5b: {  	_ =	shalt  }
0x5c: {  	_ =	shalt  }
0x5d: {  	_ =	shalt  }
0x5e: {  	_ =	shalt  }
0x5f: {  	_ =	shalt  }
0x60: {  	_ =	shalt  }
0x61: {  	_ =	shalt  }
0x62: {  	_ =	shalt  }
0x63: {  	_ =	shalt  }
0x64: {  	_ =	shalt  }
0x65: {  	_ =	shalt  }
0x66: {  	_ =	shalt  }
0x67: {  	_ =	shalt  }
0x68: {  	_ =	shalt  }
0x69: {  	_ =	shalt  }
0x6a: {  	_ =	shalt  }
0x6b: {  	_ =	shalt  }
0x6c: {  	_ =	shalt  }
0x6d: {  	_ =	shalt  }
0x6e: {  	_ =	shalt  }
0x6f: {  	_ =	shalt  }
0x70: {  	_ =	shalt  }
0x71: {  	_ =	shalt  }
0x72: {  	_ =	shalt  }
0x73: {  	_ =	shalt  }
0x74: {  	_ =	shalt  }
0x75: {  	_ =	shalt  }
0x76: {  	_ =	shalt  }
0x77: {  	_ =	shalt  }
0x78: {  	_ =	shalt  }
0x79: {  	_ =	shalt  }
0x7a: {  	_ =	shalt  }
0x7b: {  	_ =	shalt  }
0x7c: {  	_ =	shalt  }
0x7d: {  	_ =	shalt  }
0x7e: {  	_ =	shalt  }
0x7f: {  	_ =	shalt  }
0x80: {  	_ =	shalt  }
0x81: {  	_ =	shalt  }
0x82: {  	_ =	shalt  }
0x83: {  	_ =	shalt  }
0x84: {  	_ =	shalt  }
0x85: {  	_ =	shalt  }
0x86: {  	_ =	shalt  }
0x87: {  	_ =	shalt  }
.Lfunc_end0:
.L_simem_size_0:
called_computation_lowered:
.L_overlay_start_0:
0x88: {  	s2 =	sld [smem:$0x3FD9]  }
0x89: {  	s3 =	sld [smem:$0x3FFE];
	_ =	sdelay $0x1  }
0x8a: {  	s1 =	srdreg.scid  }
0x8b: {  	s0 =	sand.u32 $0x1, s1  }
0x8c: {  	s17 =	sshll.u32 s0, $0xA;
	s2 =	sadd.s32 s3, s2  }
0x8d: {  	s2 =	sadd.s32 s2, s17  }
0x8e: {  	[smem:$0x3FC2] =	sst s2  }
0x8f: {  	_ = 	snop  }
0x90: {  	s2 =	sld [smem:$0x3FD0];
	(tm) =	ssettm $0x1  }
0x91: {  	s18 =	sld [smem:$0x3FFB];
	_ =	sdelay $0x3  }
0x92: {  	_ =	strace s18  }
0x93: {  	s3 =	sld [smem:$0x3FFC];
	_ =	sdelay $0x3  }
0x94: {  	_ =	strace s3  }
0x95: {  	s3 =	sld [smem:$0x3FFD];
	_ =	sdelay $0x3  }
0x96: {  	_ =	strace s3  }
0x97: {  	_ =	strace $0x8FFFFFFF  }
0x98: {  	s19 =	sld [smem:$0x3FDB];
	_ =	sdelay $0x1  }
0x99: {  	s4 =	simm.s32 $_scs_section_size  }
0x9a: {  	s5 =	simm.s32 $_size__tile_overlayer_lowered;
	s6 =	simm.s32 $_tile_overlayer_lowered  }
0x9b: {  	s22 =	simm.s32 $0x1BFF;
	s21 =	sshll.u32 s6, $0x1;
	s3 =	sadd.s32 s4, s19  }
0x9c: {  	s7 =	simm.s32 $0x0;
	s20 =	sshll.u32 s5, $0x1;
	s5 =	sadd.s32 s21, s3  }
0x9d: {  	[timem:s7], [sflag:s22] =	dma.local [hbm:s5], s20  }
0x9e: {  	_ =	swait.ge [sflag:s22], s20  }
0x9f: {  	s4 =	ssub.s32 $0x0, s20;
	[sflag:s22] =	ssyncset.done $0x0  }
0xa0: {  	[sflag:s22] =	ssyncadd.s32 s4;
	_ =	sdelay $0x1  }
0xa1: {  	s23 =	simm.s32 $0x1B8B  }
0xa2: {  	_ =	swait.ge [sflag:s23], $0x1  }
0xa3: {  	[sflag:s23] =	ssyncset.done $0x0  }
0xa4: {  	s25 =	simm.s32 $0x1B8E;
	s24 =	sld [smem:$0x3FFE];
	[sflag:s23] =	ssyncadd.s32 $0xFFFFFFFF  }
0xa5: {  	s26 =	simm.s32 $execute0_lowered;
	[smem:$0x3FD2] =	sst s25  }
0xa6: {  	s5 =	sshll.u32 s26, $0x1;
	_ =	strace $0x80000046;
	[dreg:$0x1] =	wrdreg $0xFFFFFFFF  }
0xa7: {  	s28 =	simm.s32 $_size_execute0_lowered;
	s3 =	sadd.s32 s3, s5;
	[dreg:$0x0] =	wrdreg $0x0  }
0xa8: {  	s5 =	sshll.u32 s28, $0x1;
	[dreg:$0x2] =	wrdreg s3  }
0xa9: {  	[dreg:$0x3] =	wrdreg s5  }
0xaa: {  	[dreg:$0x4] =	wrdreg $0xC0  }
0xab: {  	_ =	task [dreg:s7], $0x5FFFF  }
0xac: {  	[dreg:$0x1] =	wrdreg $0xFFFFFFFF  }
0xad: {  	[dreg:$0x0] =	wrdreg $0x60  }
0xae: {  	[dreg:$0x2] =	wrdreg s24  }
0xaf: {  	[dreg:$0x3] =	wrdreg s2  }
0xb0: {  	[dreg:$0x4] =	wrdreg $0x9  }
0xb1: {  	_ =	task.clear_ibuf [dreg:s7], $0x5FFFF;
	_ =	strace $0x90000046  }
0xb2: {  	s29 =	simm.s32 $0x9;
	_ =	strace $0x80000048  }
0xb3: {  	_ =	swait.ge [sflag:s29], $0x1  }
0xb4: {  	[sflag:s29] =	ssyncadd.s32 $0xFFFFFFFF  }
0xb5: {  	_ =	strace $0x90000048  }
0xb6: {  	_ =	sfence  }
0xb7: {  	s30 =	sld [smem:$0x0];
	_ =	sdelay $0x2  }
0xb8: {  	s31 =	sshll.u32 s1, $0xD;
	s1 =	sshrl.u32 s1, $0x2  }
0xb9: {  	s3 =	sand.u32 $0x4000, s31;
	s1 =	sadd.s32 s1, s30  }
0xba: {  	s0 =	sor.u32 s3, s0;
	s1 =	sshll.u32 s1, $0x11  }
0xbb: {  	s0 =	sor.u32 s1, s0  }
0xbc: {  	s0 =	sadd.s32 $0x8F2B, s0  }
0xbd: {  	[sflag:s0] =	ssyncadd.remote.s32 $0x1  }
0xbe: {  	_ =	sfence.sel $0xFFFF  }
0xbf: {  	[dreg:$0x0] =	wrdreg $0xFFFFFFFF;
	(pc) =	sbr.abs _section_cstart, $3  }
0xc0: {  	[dreg:$0x1] =	wrdreg $0xFFFFFFFF  }
0xc1: {  	_ =	task.clear_ibuf [dreg:s7], $0x2FFFF;
	_ =	strace $0x9FFFFFFF  }
0xc2: {  	(tm) =	ssettm $0x7FFFFFFF  }
0xc3: {  	_ =	shalt  }
tec
execute0_lowered:
.L_overlay_start_1:
0x0: {  	(tag) =	ssettag $0x1  }
0x1: {  	s5 =	rddreg [dreg:$0x0]  }
0x2: {  	s1 =	rddreg [dreg:$0x1]  }
0x3: {  	s0 =	rddreg [dreg:$0x2];
	s2 =	simm.s32 $0x0  }
0x4: {  	s3 =	srdreg.scid;
	s10 =	simm.s32 $0x19FA0;
	s11 =	simm.s32 $0x1  }
0x5: {  	s12 =	simm.s32 $0x1B8A0;
	s13 =	simm.s32 $0x2;
	s14 =	simm.s32 $0x1D1A0  }
0x6: {  	s15 =	simm.s32 $0x3;
	s16 =	simm.s32 $0x4;
	s17 =	simm.s32 $0x0  }
0x7: {  	[smem:$0x7FF] =	sst s2;
	s6 =	sand.u32 $0x1, s3;
	s3 =	stileid.u32  }
0x8: {  	s4 =	sadd.s32 $0x1A00, s5;
	s5 =	sadd.s32 $0x9ECC00, s5;
	s7 =	ssub.s32 $0x2, s6  }
0x9: {  	_ =	strace $0x80000047;
	s9 =	sshll.u32 s3, $0x1;
	s8 =	sshrl.u32 s7, $0x1  }
0xa: {  	s6 =	sor.u32 s6, s9;
	s9 =	simm.s32 $0x186A0;
	s7 =	ssub.s32 s7, s8  }
0xb: {  	s6 =	smul.u32 $0x1A, s6;
	s8 =	simm.s32 $0x5;
	s7 =	smax.u32 s7, $0x1  }
.LBB2_1:
0xc: {  	s18 =	simm.s32 $0x0  }
.LBB2_2:
0xd: {  	s20 =	sadd.s32 s6, s18  }
0xe: {  	s19 =	smul.u32 $0x30D4, s20  }
0xf: {  	s21 =	sshrl.u32 s20, $0x5  }
0x10: {  	s31 =	smul.u32 $0xC800, s21;
	s22 =	sadd.s32 s4, s19;
	s19 =	simm.s32 $0x0  }
0x11: {  	[tilespmem:s19], [sflag:$0x5] =	stream.linear.gather [hbm4b:s22+s19], $0x186A0, $0x38;
	[tilespmem:$0x1EAA0] =	vst v63  }
0x12: {  	_ =	swait.ge [sflag:s8], $0x186A0  }
0x13: {  	s21 =	sshrl.u32 s31, $0x3;
	[sflag:s8] =	ssyncset.done $0x0  }
0x14: {  	s21 =	sadd.s32 s5, s21;
	[sflag:s8] =	ssyncadd.s32 $0xFFFE7960  }
0x15: {  	[tilespmem:s9], [sflag:$0x1] =	stream.linear.gather [hbm4b:s21+s19], $0x1900, $0x38;
	[tilespmem:$0x1EAA0] =	vst v63  }
0x16: {  	s20 =	smul.u32 $0xC800, s20;
	s21 =	sadd.s32 $0x320, s21  }
0x17: {  	[tilespmem:s10], [sflag:$0x2] =	stream.linear.gather [hbm4b:s21+s19], $0x1900, $0x38;
	[tilespmem:$0x1EAA0] =	vst v63  }
0x18: {  	s23 =	sadd.s32 $0x1900, s20;
	s22 =	sadd.s32 $0x4B00, s31;
	s21 =	sadd.s32 $0x3200, s31  }
.LBB2_3:
0x19: {  	_ =	swait.ge [sflag:s11], $0x1900  }
0x1a: {  	p0 =	seq.s32 s19, $0x0;
	[sflag:s11] =	ssyncset.done $0x0  }
0x1b: {  	s24 =	simm.s32 @!p0 $0x3;
	[sflag:s11] =	ssyncadd.s32 $0xFFFFE700  }
0x1c: {  	_ =	swait.ge @!p0 [sflag:s24], $0x1900  }
0x1d: {  	[sflag:s24] =	ssyncset.done @!p0 $0x0  }
0x1e: {  	s25 =	simm.s32 $0x0;
	[sflag:s24] =	ssyncadd.s32 @!p0 $0xFFFFE700  }
0x1f: {  	v0 =	vld [tilespmem:s25+$0x186A0];
	_ =	sdelay $0x5  }
0x20: {  	v1 =	vld [tilespmem:s25+$0x186B0];
	_ =	sdelay $0x1  }
0x21: {  	v0 =	vld.idx.msk [tilespmem:v0+s2+$0x0], $0xffff;
	_ =	sdelay $0x4  }
0x22: {  	[tilespmem:s25+$0x1B8A0] =	vst v0;
	v0 =	vld [tilespmem:s25+$0x186C0]  }
0x23: {  	v1 =	vld.idx.msk [tilespmem:v1+s2+$0x0], $0xffff;
	_ =	sdelay $0x4  }
0x24: {  	[tilespmem:s25+$0x1B8B0] =	vst v1;
	v1 =	vld [tilespmem:s25+$0x186D0];
	_ =	sdelay $0x1  }
0x25: {  	v0 =	vld.idx.msk [tilespmem:v0+s2+$0x0], $0xffff;
	_ =	sdelay $0x4  }
0x26: {  	[tilespmem:s25+$0x1B8C0] =	vst v0;
	v0 =	vld [tilespmem:s25+$0x186E0]  }
0x27: {  	v1 =	vld.idx.msk [tilespmem:v1+s2+$0x0], $0xffff;
	_ =	sdelay $0x4  }
0x28: {  	[tilespmem:s25+$0x1B8D0] =	vst v1;
	v1 =	vld [tilespmem:s25+$0x186F0];
	_ =	sdelay $0x1  }
0x29: {  	v0 =	vld.idx.msk [tilespmem:v0+s2+$0x0], $0xffff;
	_ =	sdelay $0x4  }
0x2a: {  	[tilespmem:s25+$0x1B8E0] =	vst v0;
	v0 =	vld [tilespmem:s25+$0x18700]  }
0x2b: {  	v1 =	vld.idx.msk [tilespmem:v1+s2+$0x0], $0xffff;
	_ =	sdelay $0x4  }
0x2c: {  	[tilespmem:s25+$0x1B8F0] =	vst v1;
	v1 =	vld [tilespmem:s25+$0x18710];
	_ =	sdelay $0x1  }
0x2d: {  	v0 =	vld.idx.msk [tilespmem:v0+s2+$0x0], $0xffff;
	_ =	sdelay $0x4  }
0x2e: {  	[tilespmem:s25+$0x1B900] =	vst v0;
	v0 =	vld [tilespmem:s25+$0x18720]  }
0x2f: {  	v1 =	vld.idx.msk [tilespmem:v1+s2+$0x0], $0xffff;
	_ =	sdelay $0x4  }
0x30: {  	[tilespmem:s25+$0x1B910] =	vst v1;
	v1 =	vld [tilespmem:s25+$0x18730];
	_ =	sdelay $0x1  }
0x31: {  	v0 =	vld.idx.msk [tilespmem:v0+s2+$0x0], $0xffff;
	_ =	sdelay $0x4  }
0x32: {  	[tilespmem:s25+$0x1B920] =	vst v0;
	v0 =	vld [tilespmem:s25+$0x18740]  }
0x33: {  	v1 =	vld.idx.msk [tilespmem:v1+s2+$0x0], $0xffff;
	_ =	sdelay $0x4  }
0x34: {  	[tilespmem:s25+$0x1B930] =	vst v1;
	v1 =	vld [tilespmem:s25+$0x18750];
	_ =	sdelay $0x1  }
0x35: {  	v0 =	vld.idx.msk [tilespmem:v0+s2+$0x0], $0xffff;
	_ =	sdelay $0x4  }
0x36: {  	[tilespmem:s25+$0x1B940] =	vst v0;
	v0 =	vld [tilespmem:s25+$0x18760]  }
0x37: {  	v1 =	vld.idx.msk [tilespmem:v1+s2+$0x0], $0xffff;
	_ =	sdelay $0x4  }
0x38: {  	[tilespmem:s25+$0x1B950] =	vst v1;
	v1 =	vld [tilespmem:s25+$0x18770];
	_ =	sdelay $0x1  }
0x39: {  	v0 =	vld.idx.msk [tilespmem:v0+s2+$0x0], $0xffff;
	_ =	sdelay $0x4  }
0x3a: {  	v2 =	vld [tilespmem:s25+$0x18780];
	[tilespmem:s25+$0x1B960] =	vst v0  }
0x3b: {  	v0 =	vld.idx.msk [tilespmem:v1+s2+$0x0], $0xffff;
	_ =	sdelay $0x4  }
0x3c: {  	[tilespmem:s25+$0x1B970] =	vst v0;
	v0 =	vld [tilespmem:s25+$0x18790];
	_ =	sdelay $0x1  }
0x3d: {  	v1 =	vld.idx.msk [tilespmem:v2+s2+$0x0], $0xffff;
	_ =	sdelay $0x3  }
0x3e: {  	s28 =	simm.s32 $0x100;
	s26 =	simm.s32 $0x800;
	s24 =	smul.u32 $0x3200, s19  }
.LBB2_4:
0x3f: {  	p1 =	sne.s32 s26, $0x6000;
	v2 =	vld [tilespmem:s28+$0x186A0];
	[tilespmem:s25+$0x1B980] =	vst v1  }
0x40: {  	v0 =	vld.idx.msk [tilespmem:v0+s2+$0x0], $0xffff;
	_ =	sdelay $0x5  }
0x41: {  	v1 =	vld [tilespmem:s28+$0x186B0];
	[tilespmem:s25+$0x1B990] =	vst v0;
	s25 =	smov.u32 s28  }
0x42: {  	v0 =	vld.idx.msk [tilespmem:v2+s2+$0x0], $0xffff;
	_ =	sdelay $0x5  }
0x43: {  	[tilespmem:s25+$0x1B8A0] =	vst v0;
	v0 =	vld [tilespmem:s25+$0x186C0]  }
0x44: {  	v1 =	vld.idx.msk [tilespmem:v1+s2+$0x0], $0xffff;
	_ =	sdelay $0x5  }
0x45: {  	[tilespmem:s25+$0x1B8B0] =	vst v1;
	v1 =	vld [tilespmem:s25+$0x186D0]  }
0x46: {  	v0 =	vld.idx.msk [tilespmem:v0+s2+$0x0], $0xffff;
	_ =	sdelay $0x5  }
0x47: {  	[tilespmem:s25+$0x1B8C0] =	vst v0;
	v0 =	vld [tilespmem:s25+$0x186E0]  }
0x48: {  	v1 =	vld.idx.msk [tilespmem:v1+s2+$0x0], $0xffff;
	_ =	sdelay $0x5  }
0x49: {  	[tilespmem:s25+$0x1B8D0] =	vst v1;
	v1 =	vld [tilespmem:s25+$0x186F0]  }
0x4a: {  	v0 =	vld.idx.msk [tilespmem:v0+s2+$0x0], $0xffff;
	_ =	sdelay $0x5  }
0x4b: {  	[tilespmem:s25+$0x1B8E0] =	vst v0;
	v0 =	vld [tilespmem:s25+$0x18700]  }
0x4c: {  	v1 =	vld.idx.msk [tilespmem:v1+s2+$0x0], $0xffff;
	_ =	sdelay $0x5  }
0x4d: {  	[tilespmem:s25+$0x1B8F0] =	vst v1;
	v1 =	vld [tilespmem:s25+$0x18710]  }
0x4e: {  	v0 =	vld.idx.msk [tilespmem:v0+s2+$0x0], $0xffff;
	_ =	sdelay $0x5  }
0x4f: {  	[tilespmem:s25+$0x1B900] =	vst v0;
	v0 =	vld [tilespmem:s25+$0x18720]  }
0x50: {  	v1 =	vld.idx.msk [tilespmem:v1+s2+$0x0], $0xffff;
	_ =	sdelay $0x5  }
0x51: {  	[tilespmem:s25+$0x1B910] =	vst v1;
	v1 =	vld [tilespmem:s25+$0x18730]  }
0x52: {  	v0 =	vld.idx.msk [tilespmem:v0+s2+$0x0], $0xffff;
	_ =	sdelay $0x5  }
0x53: {  	[tilespmem:s25+$0x1B920] =	vst v0;
	v0 =	vld [tilespmem:s25+$0x18740]  }
0x54: {  	v1 =	vld.idx.msk [tilespmem:v1+s2+$0x0], $0xffff;
	_ =	sdelay $0x5  }
0x55: {  	[tilespmem:s25+$0x1B930] =	vst v1;
	v1 =	vld [tilespmem:s25+$0x18750]  }
0x56: {  	v0 =	vld.idx.msk [tilespmem:v0+s2+$0x0], $0xffff;
	_ =	sdelay $0x5  }
0x57: {  	[tilespmem:s25+$0x1B940] =	vst v0;
	v0 =	vld [tilespmem:s25+$0x18760]  }
0x58: {  	v1 =	vld.idx.msk [tilespmem:v1+s2+$0x0], $0xffff;
	_ =	sdelay $0x5  }
0x59: {  	[tilespmem:s25+$0x1B950] =	vst v1;
	v1 =	vld [tilespmem:s25+$0x18770]  }
0x5a: {  	v0 =	vld.idx.msk [tilespmem:v0+s2+$0x0], $0xffff;
	_ =	sdelay $0x5  }
0x5b: {  	[tilespmem:s25+$0x1B960] =	vst v0;
	v2 =	vld [tilespmem:s25+$0x18780]  }
0x5c: {  	v0 =	vld.idx.msk [tilespmem:v1+s2+$0x0], $0xffff;
	_ =	sdelay $0x5  }
0x5d: {  	[tilespmem:s25+$0x1B970] =	vst v0;
	v0 =	vld [tilespmem:s25+$0x18790]  }
0x5e: {  	v1 =	vld.idx.msk [tilespmem:v2+s2+$0x0], $0xffff  }
.Ltmp0:
0x5f: {  	(pc) =	sbr.rel @p1 .LBB2_4-.Ltmp0, $2  }
0x60: {  	_ =	sdelay $0x2  }
0x61: {  	s28 =	sshra.s32 s26, $0x2;
	s26 =	sadd.s32 $0x400, s26  }
0x62: {  	_ =	sdelay $0x1  }
0x63: {  	v2 =	vld [tilespmem:s28+$0x186A0]  }
0x64: {  	[tilespmem:s25+$0x1B980] =	vst v1  }
0x65: {  	v0 =	vld.idx.msk [tilespmem:v0+s2+$0x0], $0xffff;
	_ =	sdelay $0x3  }
0x66: {  	v1 =	vld [tilespmem:s28+$0x186B0]  }
0x67: {  	[tilespmem:s25+$0x1B990] =	vst v0  }
0x68: {  	v0 =	vld.idx.msk [tilespmem:v2+s2+$0x0], $0xffff;
	_ =	sdelay $0x4  }
0x69: {  	[tilespmem:s28+$0x1B8A0] =	vst v0;
	v0 =	vld [tilespmem:s28+$0x186C0]  }
0x6a: {  	v1 =	vld.idx.msk [tilespmem:v1+s2+$0x0], $0xffff;
	_ =	sdelay $0x4  }
0x6b: {  	[tilespmem:s28+$0x1B8B0] =	vst v1;
	v1 =	vld [tilespmem:s28+$0x186D0];
	_ =	sdelay $0x1  }
0x6c: {  	v0 =	vld.idx.msk [tilespmem:v0+s2+$0x0], $0xffff;
	_ =	sdelay $0x4  }
0x6d: {  	[tilespmem:s28+$0x1B8C0] =	vst v0;
	v0 =	vld [tilespmem:s28+$0x186E0]  }
0x6e: {  	v1 =	vld.idx.msk [tilespmem:v1+s2+$0x0], $0xffff;
	_ =	sdelay $0x4  }
0x6f: {  	[tilespmem:s28+$0x1B8D0] =	vst v1;
	v1 =	vld [tilespmem:s28+$0x186F0];
	_ =	sdelay $0x1  }
0x70: {  	v0 =	vld.idx.msk [tilespmem:v0+s2+$0x0], $0xffff;
	_ =	sdelay $0x4  }
0x71: {  	[tilespmem:s28+$0x1B8E0] =	vst v0;
	v0 =	vld [tilespmem:s28+$0x18700]  }
0x72: {  	v1 =	vld.idx.msk [tilespmem:v1+s2+$0x0], $0xffff;
	_ =	sdelay $0x4  }
0x73: {  	[tilespmem:s28+$0x1B8F0] =	vst v1;
	v1 =	vld [tilespmem:s28+$0x18710];
	_ =	sdelay $0x1  }
0x74: {  	v0 =	vld.idx.msk [tilespmem:v0+s2+$0x0], $0xffff;
	_ =	sdelay $0x4  }
0x75: {  	[tilespmem:s28+$0x1B900] =	vst v0;
	v0 =	vld [tilespmem:s28+$0x18720]  }
0x76: {  	v1 =	vld.idx.msk [tilespmem:v1+s2+$0x0], $0xffff;
	_ =	sdelay $0x4  }
0x77: {  	[tilespmem:s28+$0x1B910] =	vst v1;
	v1 =	vld [tilespmem:s28+$0x18730];
	_ =	sdelay $0x1  }
0x78: {  	v0 =	vld.idx.msk [tilespmem:v0+s2+$0x0], $0xffff;
	_ =	sdelay $0x4  }
0x79: {  	[tilespmem:s28+$0x1B920] =	vst v0;
	v0 =	vld [tilespmem:s28+$0x18740]  }
0x7a: {  	v1 =	vld.idx.msk [tilespmem:v1+s2+$0x0], $0xffff;
	_ =	sdelay $0x4  }
0x7b: {  	[tilespmem:s28+$0x1B930] =	vst v1;
	v1 =	vld [tilespmem:s28+$0x18750];
	_ =	sdelay $0x1  }
0x7c: {  	v0 =	vld.idx.msk [tilespmem:v0+s2+$0x0], $0xffff;
	_ =	sdelay $0x4  }
0x7d: {  	[tilespmem:s28+$0x1B940] =	vst v0;
	v0 =	vld [tilespmem:s28+$0x18760]  }
0x7e: {  	v1 =	vld.idx.msk [tilespmem:v1+s2+$0x0], $0xffff;
	_ =	sdelay $0x4  }
0x7f: {  	[tilespmem:s28+$0x1B950] =	vst v1;
	v1 =	vld [tilespmem:s28+$0x18770];
	_ =	sdelay $0x1  }
0x80: {  	v0 =	vld.idx.msk [tilespmem:v0+s2+$0x0], $0xffff;
	_ =	sdelay $0x4  }
0x81: {  	[tilespmem:s28+$0x1B960] =	vst v0;
	v0 =	vld [tilespmem:s28+$0x18780]  }
0x82: {  	v1 =	vld.idx.msk [tilespmem:v1+s2+$0x0], $0xffff;
	_ =	sdelay $0x4  }
0x83: {  	[tilespmem:s28+$0x1B970] =	vst v1;
	v1 =	vld [tilespmem:s28+$0x18790];
	_ =	sdelay $0x1  }
0x84: {  	v0 =	vld.idx.msk [tilespmem:v0+s2+$0x0], $0xffff;
	_ =	sdelay $0x4  }
0x85: {  	[tilespmem:s28+$0x1B980] =	vst v0  }
0x86: {  	v0 =	vld.idx.msk [tilespmem:v1+s2+$0x0], $0xffff;
	_ =	sdelay $0x1  }
0x87: {  	p1 =	seq.s32 s19, $0x3  }
0x88: {  	s25 =	sadd.s32 @!p1 s24, s21  }
0x89: {  	s31 =	sadd.s32 s20, s24;
	s25 =	sshrl.u32 @!p1 s25, $0x3  }
0x8a: {  	s26 =	simm.s32 @!p1 $0x0;
	s25 =	sadd.s32 @!p1 s5, s25;
	[tilespmem:s28+$0x1B990] =	vst v0;
	s28 =	simm.s32 @!p1 $0x186A0  }
0x8b: {  	[tilespmem:s28], [sflag:$0x1] =	stream.linear.gather @!p1 [hbm4b:s25+s26], $0x1900, $0x38;
	[tilespmem:$0x1EAA0] =	vst v63  }
0x8c: {  	s25 =	sshrl.u32 s31, $0x3  }
0x8d: {  	s25 =	sadd.s32 s1, s25  }
0x8e: {  	[hbm4b:s25+s2] =	stream.linear.scatter [tilespmem:s12], [sflag:$0x3], $0x1900, $0x38;
	[tilespmem:$0x1EAA0] =	vst v63  }
0x8f: {  	_ =	swait.ge [sflag:s13], $0x1900  }
0x90: {  	[sflag:s13] =	ssyncset.done $0x0  }
0x91: {  	s25 =	simm.s32 @!p0 $0x4;
	[sflag:s13] =	ssyncadd.s32 $0xFFFFE700  }
0x92: {  	_ =	swait.ge @!p0 [sflag:s25], $0x1900  }
0x93: {  	[sflag:s25] =	ssyncset.done @!p0 $0x0  }
0x94: {  	[sflag:s25] =	ssyncadd.s32 @!p0 $0xFFFFE700;
	s25 =	simm.s32 $0x0  }
0x95: {  	v0 =	vld [tilespmem:s25+$0x19FA0];
	_ =	sdelay $0x5  }
0x96: {  	v1 =	vld [tilespmem:s25+$0x19FB0];
	_ =	sdelay $0x1  }
0x97: {  	v0 =	vld.idx.msk [tilespmem:v0+s2+$0x0], $0xffff;
	_ =	sdelay $0x4  }
0x98: {  	[tilespmem:s25+$0x1D1A0] =	vst v0;
	v0 =	vld [tilespmem:s25+$0x19FC0]  }
0x99: {  	v1 =	vld.idx.msk [tilespmem:v1+s2+$0x0], $0xffff;
	_ =	sdelay $0x4  }
0x9a: {  	[tilespmem:s25+$0x1D1B0] =	vst v1;
	v1 =	vld [tilespmem:s25+$0x19FD0];
	_ =	sdelay $0x1  }
0x9b: {  	v0 =	vld.idx.msk [tilespmem:v0+s2+$0x0], $0xffff;
	_ =	sdelay $0x4  }
0x9c: {  	[tilespmem:s25+$0x1D1C0] =	vst v0;
	v0 =	vld [tilespmem:s25+$0x19FE0]  }
0x9d: {  	v1 =	vld.idx.msk [tilespmem:v1+s2+$0x0], $0xffff;
	_ =	sdelay $0x4  }
0x9e: {  	[tilespmem:s25+$0x1D1D0] =	vst v1;
	v1 =	vld [tilespmem:s25+$0x19FF0];
	_ =	sdelay $0x1  }
0x9f: {  	v0 =	vld.idx.msk [tilespmem:v0+s2+$0x0], $0xffff;
	_ =	sdelay $0x4  }
0xa0: {  	[tilespmem:s25+$0x1D1E0] =	vst v0;
	v0 =	vld [tilespmem:s25+$0x1A000]  }
0xa1: {  	v1 =	vld.idx.msk [tilespmem:v1+s2+$0x0], $0xffff;
	_ =	sdelay $0x4  }
0xa2: {  	[tilespmem:s25+$0x1D1F0] =	vst v1;
	v1 =	vld [tilespmem:s25+$0x1A010];
	_ =	sdelay $0x1  }
0xa3: {  	v0 =	vld.idx.msk [tilespmem:v0+s2+$0x0], $0xffff;
	_ =	sdelay $0x4  }
0xa4: {  	[tilespmem:s25+$0x1D200] =	vst v0;
	v0 =	vld [tilespmem:s25+$0x1A020]  }
0xa5: {  	v1 =	vld.idx.msk [tilespmem:v1+s2+$0x0], $0xffff;
	_ =	sdelay $0x4  }
0xa6: {  	[tilespmem:s25+$0x1D210] =	vst v1;
	v1 =	vld [tilespmem:s25+$0x1A030];
	_ =	sdelay $0x1  }
0xa7: {  	v0 =	vld.idx.msk [tilespmem:v0+s2+$0x0], $0xffff;
	_ =	sdelay $0x4  }
0xa8: {  	[tilespmem:s25+$0x1D220] =	vst v0;
	v0 =	vld [tilespmem:s25+$0x1A040]  }
0xa9: {  	v1 =	vld.idx.msk [tilespmem:v1+s2+$0x0], $0xffff;
	_ =	sdelay $0x4  }
0xaa: {  	[tilespmem:s25+$0x1D230] =	vst v1;
	v1 =	vld [tilespmem:s25+$0x1A050];
	_ =	sdelay $0x1  }
0xab: {  	v0 =	vld.idx.msk [tilespmem:v0+s2+$0x0], $0xffff;
	_ =	sdelay $0x4  }
0xac: {  	[tilespmem:s25+$0x1D240] =	vst v0;
	v0 =	vld [tilespmem:s25+$0x1A060]  }
0xad: {  	v1 =	vld.idx.msk [tilespmem:v1+s2+$0x0], $0xffff;
	_ =	sdelay $0x4  }
0xae: {  	[tilespmem:s25+$0x1D250] =	vst v1;
	v1 =	vld [tilespmem:s25+$0x1A070];
	_ =	sdelay $0x1  }
0xaf: {  	v0 =	vld.idx.msk [tilespmem:v0+s2+$0x0], $0xffff;
	_ =	sdelay $0x4  }
0xb0: {  	v2 =	vld [tilespmem:s25+$0x1A080];
	[tilespmem:s25+$0x1D260] =	vst v0  }
0xb1: {  	v0 =	vld.idx.msk [tilespmem:v1+s2+$0x0], $0xffff;
	_ =	sdelay $0x4  }
0xb2: {  	[tilespmem:s25+$0x1D270] =	vst v0;
	v0 =	vld [tilespmem:s25+$0x1A090];
	_ =	sdelay $0x1  }
0xb3: {  	v1 =	vld.idx.msk [tilespmem:v2+s2+$0x0], $0xffff;
	_ =	sdelay $0x3  }
0xb4: {  	s28 =	simm.s32 $0x100;
	s26 =	simm.s32 $0x800  }
.LBB2_6:
0xb5: {  	p0 =	sne.s32 s26, $0x6000;
	v2 =	vld [tilespmem:s28+$0x19FA0];
	[tilespmem:s25+$0x1D280] =	vst v1  }
0xb6: {  	v0 =	vld.idx.msk [tilespmem:v0+s2+$0x0], $0xffff;
	_ =	sdelay $0x5  }
0xb7: {  	v1 =	vld [tilespmem:s28+$0x19FB0];
	[tilespmem:s25+$0x1D290] =	vst v0;
	s25 =	smov.u32 s28  }
0xb8: {  	v0 =	vld.idx.msk [tilespmem:v2+s2+$0x0], $0xffff;
	_ =	sdelay $0x5  }
0xb9: {  	[tilespmem:s25+$0x1D1A0] =	vst v0;
	v0 =	vld [tilespmem:s25+$0x19FC0]  }
0xba: {  	v1 =	vld.idx.msk [tilespmem:v1+s2+$0x0], $0xffff;
	_ =	sdelay $0x5  }
0xbb: {  	[tilespmem:s25+$0x1D1B0] =	vst v1;
	v1 =	vld [tilespmem:s25+$0x19FD0]  }
0xbc: {  	v0 =	vld.idx.msk [tilespmem:v0+s2+$0x0], $0xffff;
	_ =	sdelay $0x5  }
0xbd: {  	[tilespmem:s25+$0x1D1C0] =	vst v0;
	v0 =	vld [tilespmem:s25+$0x19FE0]  }
0xbe: {  	v1 =	vld.idx.msk [tilespmem:v1+s2+$0x0], $0xffff;
	_ =	sdelay $0x5  }
0xbf: {  	[tilespmem:s25+$0x1D1D0] =	vst v1;
	v1 =	vld [tilespmem:s25+$0x19FF0]  }
0xc0: {  	v0 =	vld.idx.msk [tilespmem:v0+s2+$0x0], $0xffff;
	_ =	sdelay $0x5  }
0xc1: {  	[tilespmem:s25+$0x1D1E0] =	vst v0;
	v0 =	vld [tilespmem:s25+$0x1A000]  }
0xc2: {  	v1 =	vld.idx.msk [tilespmem:v1+s2+$0x0], $0xffff;
	_ =	sdelay $0x5  }
0xc3: {  	[tilespmem:s25+$0x1D1F0] =	vst v1;
	v1 =	vld [tilespmem:s25+$0x1A010]  }
0xc4: {  	v0 =	vld.idx.msk [tilespmem:v0+s2+$0x0], $0xffff;
	_ =	sdelay $0x5  }
0xc5: {  	[tilespmem:s25+$0x1D200] =	vst v0;
	v0 =	vld [tilespmem:s25+$0x1A020]  }
0xc6: {  	v1 =	vld.idx.msk [tilespmem:v1+s2+$0x0], $0xffff;
	_ =	sdelay $0x5  }
0xc7: {  	[tilespmem:s25+$0x1D210] =	vst v1;
	v1 =	vld [tilespmem:s25+$0x1A030]  }
0xc8: {  	v0 =	vld.idx.msk [tilespmem:v0+s2+$0x0], $0xffff;
	_ =	sdelay $0x5  }
0xc9: {  	[tilespmem:s25+$0x1D220] =	vst v0;
	v0 =	vld [tilespmem:s25+$0x1A040]  }
0xca: {  	v1 =	vld.idx.msk [tilespmem:v1+s2+$0x0], $0xffff;
	_ =	sdelay $0x5  }
0xcb: {  	[tilespmem:s25+$0x1D230] =	vst v1;
	v1 =	vld [tilespmem:s25+$0x1A050]  }
0xcc: {  	v0 =	vld.idx.msk [tilespmem:v0+s2+$0x0], $0xffff;
	_ =	sdelay $0x5  }
0xcd: {  	[tilespmem:s25+$0x1D240] =	vst v0;
	v0 =	vld [tilespmem:s25+$0x1A060]  }
0xce: {  	v1 =	vld.idx.msk [tilespmem:v1+s2+$0x0], $0xffff;
	_ =	sdelay $0x5  }
0xcf: {  	[tilespmem:s25+$0x1D250] =	vst v1;
	v1 =	vld [tilespmem:s25+$0x1A070]  }
0xd0: {  	v0 =	vld.idx.msk [tilespmem:v0+s2+$0x0], $0xffff;
	_ =	sdelay $0x5  }
0xd1: {  	[tilespmem:s25+$0x1D260] =	vst v0;
	v2 =	vld [tilespmem:s25+$0x1A080]  }
0xd2: {  	v0 =	vld.idx.msk [tilespmem:v1+s2+$0x0], $0xffff;
	_ =	sdelay $0x5  }
0xd3: {  	[tilespmem:s25+$0x1D270] =	vst v0;
	v0 =	vld [tilespmem:s25+$0x1A090]  }
0xd4: {  	v1 =	vld.idx.msk [tilespmem:v2+s2+$0x0], $0xffff  }
.Ltmp1:
0xd5: {  	(pc) =	sbr.rel @p0 .LBB2_6-.Ltmp1, $2  }
0xd6: {  	_ =	sdelay $0x2  }
0xd7: {  	s28 =	sshra.s32 s26, $0x2;
	s26 =	sadd.s32 $0x400, s26  }
0xd8: {  	_ =	sdelay $0x1  }
0xd9: {  	v2 =	vld [tilespmem:s28+$0x19FA0]  }
0xda: {  	[tilespmem:s25+$0x1D280] =	vst v1  }
0xdb: {  	v0 =	vld.idx.msk [tilespmem:v0+s2+$0x0], $0xffff;
	_ =	sdelay $0x3  }
0xdc: {  	v1 =	vld [tilespmem:s28+$0x19FB0]  }
0xdd: {  	[tilespmem:s25+$0x1D290] =	vst v0  }
0xde: {  	v0 =	vld.idx.msk [tilespmem:v2+s2+$0x0], $0xffff;
	_ =	sdelay $0x3  }
0xdf: {  	v50 =	vld [tilespmem:s28+$0x19FC0]  }
0xe0: {  	[tilespmem:s28+$0x1D1A0] =	vst v0  }
0xe1: {  	v1 =	vld.idx.msk [tilespmem:v1+s2+$0x0], $0xffff;
	_ =	sdelay $0x3  }
0xe2: {  	v51 =	vld [tilespmem:s28+$0x19FD0]  }
0xe3: {  	[tilespmem:s28+$0x1D1B0] =	vst v1  }
0xe4: {  	v0 =	vld.idx.msk [tilespmem:v50+s2+$0x0], $0xffff;
	_ =	sdelay $0x3  }
0xe5: {  	v52 =	vld [tilespmem:s28+$0x19FE0]  }
0xe6: {  	[tilespmem:s28+$0x1D1C0] =	vst v0  }
0xe7: {  	v1 =	vld.idx.msk [tilespmem:v51+s2+$0x0], $0xffff;
	_ =	sdelay $0x3  }
0xe8: {  	v53 =	vld [tilespmem:s28+$0x19FF0]  }
0xe9: {  	[tilespmem:s28+$0x1D1D0] =	vst v1  }
0xea: {  	v0 =	vld.idx.msk [tilespmem:v52+s2+$0x0], $0xffff;
	_ =	sdelay $0x3  }
0xeb: {  	v54 =	vld [tilespmem:s28+$0x1A000]  }
0xec: {  	[tilespmem:s28+$0x1D1E0] =	vst v0  }
0xed: {  	v1 =	vld.idx.msk [tilespmem:v53+s2+$0x0], $0xffff;
	_ =	sdelay $0x3  }
0xee: {  	v55 =	vld [tilespmem:s28+$0x1A010]  }
0xef: {  	[tilespmem:s28+$0x1D1F0] =	vst v1  }
0xf0: {  	v0 =	vld.idx.msk [tilespmem:v54+s2+$0x0], $0xffff;
	_ =	sdelay $0x3  }
0xf1: {  	v56 =	vld [tilespmem:s28+$0x1A020]  }
0xf2: {  	[tilespmem:s28+$0x1D200] =	vst v0  }
0xf3: {  	v1 =	vld.idx.msk [tilespmem:v55+s2+$0x0], $0xffff;
	_ =	sdelay $0x3  }
0xf4: {  	v57 =	vld [tilespmem:s28+$0x1A030]  }
0xf5: {  	[tilespmem:s28+$0x1D210] =	vst v1  }
0xf6: {  	v0 =	vld.idx.msk [tilespmem:v56+s2+$0x0], $0xffff;
	_ =	sdelay $0x3  }
0xf7: {  	v58 =	vld [tilespmem:s28+$0x1A040]  }
0xf8: {  	[tilespmem:s28+$0x1D220] =	vst v0  }
0xf9: {  	v1 =	vld.idx.msk [tilespmem:v57+s2+$0x0], $0xffff;
	_ =	sdelay $0x3  }
0xfa: {  	v59 =	vld [tilespmem:s28+$0x1A050]  }
0xfb: {  	[tilespmem:s28+$0x1D230] =	vst v1  }
0xfc: {  	v0 =	vld.idx.msk [tilespmem:v58+s2+$0x0], $0xffff;
	_ =	sdelay $0x3  }
0xfd: {  	v60 =	vld [tilespmem:s28+$0x1A060]  }
0xfe: {  	[tilespmem:s28+$0x1D240] =	vst v0  }
0xff: {  	v1 =	vld.idx.msk [tilespmem:v59+s2+$0x0], $0xffff;
	_ =	sdelay $0x3  }
0x100: {  	v61 =	vld [tilespmem:s28+$0x1A070]  }
0x101: {  	[tilespmem:s28+$0x1D250] =	vst v1  }
0x102: {  	v0 =	vld.idx.msk [tilespmem:v60+s2+$0x0], $0xffff;
	_ =	sdelay $0x3  }
0x103: {  	v62 =	vld [tilespmem:s28+$0x1A080]  }
0x104: {  	[tilespmem:s28+$0x1D260] =	vst v0  }
0x105: {  	v1 =	vld.idx.msk [tilespmem:v61+s2+$0x0], $0xffff;
	_ =	sdelay $0x3  }
0x106: {  	v63 =	vld [tilespmem:s28+$0x1A090]  }
0x107: {  	[tilespmem:s28+$0x1D270] =	vst v1  }
0x108: {  	v0 =	vld.idx.msk [tilespmem:v62+s2+$0x0], $0xffff;
	_ =	sdelay $0x4  }
0x109: {  	[tilespmem:s28+$0x1D280] =	vst v0  }
0x10a: {  	v0 =	vld.idx.msk [tilespmem:v63+s2+$0x0], $0xffff;
	_ =	sdelay $0x1  }
0x10b: {  	s19 =	sadd.s32 $0x1, s19  }
0x10c: {  	s26 =	simm.s32 @!p1 $0x0;
	p0 =	sne.s32 s19, $0x4;
	s25 =	sadd.s32 @!p1 s24, s22  }
.Ltmp2:
0x10d: {  	s31 =	sadd.s32 s24, s23;
	s25 =	sshrl.u32 @!p1 s25, $0x3;
	(pc) =	sbr.rel @p0 .LBB2_3-.Ltmp2, $4  }
0x10e: {  	s24 =	sshrl.u32 s31, $0x3;
	s25 =	sadd.s32 @!p1 s5, s25;
	[tilespmem:s28+$0x1D290] =	vst v0;
	s28 =	simm.s32 @!p1 $0x19FA0  }
0x10f: {  	[tilespmem:s28], [sflag:$0x2] =	stream.linear.gather @!p1 [hbm4b:s25+s26], $0x1900, $0x38;
	[tilespmem:$0x1EAA0] =	vst v63  }
0x110: {  	s24 =	sadd.s32 s1, s24  }
0x111: {  	[hbm4b:s24+s2] =	stream.linear.scatter [tilespmem:s14], [sflag:$0x4], $0x1900, $0x38;
	[tilespmem:$0x1EAA0] =	vst v63  }
0x112: {  	s18 =	sadd.s32 $0x1, s18  }
0x113: {  	_ =	swait.ge [sflag:s15], $0x1900;
	p0 =	sne.s32 s18, $0x1A  }
.Ltmp3:
0x114: {  	[sflag:s15] =	ssyncset.done $0x0;
	(pc) =	sbr.rel @p0 .LBB2_2-.Ltmp3, $4  }
0x115: {  	[sflag:s15] =	ssyncadd.s32 $0xFFFFE700  }
0x116: {  	_ =	swait.ge [sflag:s16], $0x1900  }
0x117: {  	[sflag:s16] =	ssyncset.done $0x0  }
0x118: {  	[sflag:s16] =	ssyncadd.s32 $0xFFFFE700  }
0x119: {  	s17 =	sadd.s32 $0x1, s17  }
0x11a: {  	p0 =	sne.s32 s17, s7  }
.Ltmp4:
0x11b: {  	_ = 	snop;
	(pc) =	sbr.rel @p0 .LBB2_1-.Ltmp4, $1  }
0x11c: {  	_ =	sdelay $0x3  }
0x11d: {  	_ =	sfence.sel $0x180000  }
0x11e: {  	[bflag:$0x0] =	sbarrier.arrive $0xFFFF  }
0x11f: {  	p0 =	sne.s32 s3, $0x0;
	_ =	strace $0x90000047  }
0x120: {  	s0 =	sadd.s32 @!p0 $0x100000, s0;
	[bflag:$0x2] =	sbarrier.arrive $0xFFFF  }
0x121: {  	[sflag:s0] =	ssyncadd.tile.s32 @!p0 $0x1;
	_ =	shalt  }
.Lfunc_end2:
_tile_overlayer_lowered:
.L_overlay_start_2:
0x122: {  	(tag) =	ssettag $0x2  }
0x123: {  	s0 =	rddreg [dreg:$0x0];
	s2 =	stileid.u32  }
0x124: {  	s1 =	rddreg [dreg:$0x1];
	p0 =	sne.s32 s2, $0x0  }
0x125: {  	s3 =	rddreg [dreg:$0x2];
	[bflag:$0x3] =	sbarrier.arrive $0xFFFF;
	s2 =	simm.s32 @!p0 $0x1C05  }
0x126: {  	[timem:s3], [sflag:s2] =	dma.local @!p0 [hbm:s0], s1  }
0x127: {  	s0 =	simm.s32 @!p0 $0x5  }
0x128: {  	_ =	swait.ge @!p0 [sflag:s0], s1  }
0x129: {  	s1 =	ssub.s32 @!p0 $0x0, s1;
	[sflag:s0] =	ssyncset.done @!p0 $0x0  }
0x12a: {  	[sflag:s0] =	ssyncadd.s32 @!p0 s1  }
0x12b: {  	[bflag:$0x3] =	sbarrier.arrive $0xFFFF  }
0x12c: {  	_ =	shalt  }

</sc_bundles>
